<compile_context>
chip_gen: v7x
topology: tpu7x:2x2x1
jax: 0.10.2.dev20260603
libtpu: 0.0.44.dev20260713+nightly
codegen_flags: <defaults>
</compile_context>

<pallas_src>
import jax
import jax.numpy as jnp
from jax import lax
from jax.experimental import pallas as pl
from jax.experimental.pallas import tpu as pltpu
from jax.experimental.pallas import tpu_sc as plsc

B = 16384
F = 26
FD = 13
VOCAB = 1000000
NC = 2
NS = 16
NW = NC * NS
BPW = B // NW
L = 16


def _dense_tc_kernel(xd_ref, w_ref, out_ref):
    out_ref[...] = jnp.sum(xd_ref[...] * w_ref[...][None, :], axis=1)


def _dense_logit(xd, w):
    return pl.pallas_call(
        _dense_tc_kernel,
        out_shape=jax.ShapeDtypeStruct((B,), jnp.float32),
    )(xd, w)


def _sc_body(xst_hbm, tab_hbm, den_hbm, out_hbm,
             idx_v, val_v, den_v, out_v, isem, gsem):
    c = lax.axis_index("c")
    s = lax.axis_index("s")
    wid = s * NC + c
    base = wid * BPW

    cps = [pltpu.async_copy(xst_hbm.at[f].at[pl.ds(base, BPW)],
                            idx_v.at[pl.ds(f * BPW, BPW)], isem)
           for f in range(F)]
    cps.append(pltpu.async_copy(den_hbm.at[pl.ds(base, BPW)], den_v, isem))
    for cp in cps:
        cp.wait()

    gps = [pltpu.async_copy(tab_hbm.at[f].at[idx_v.at[pl.ds(f * BPW, BPW)]],
                            val_v.at[pl.ds(f * BPW, BPW)], gsem)
           for f in range(1)]
    for gp in gps:
        gp.wait()

    @pl.loop(0, BPW // L)
    def _reduce(cc):
        b0 = cc * L
        acc = den_v[pl.ds(b0, L)]
        for f in range(F):
            acc = acc + val_v[pl.ds(f * BPW + b0, L)]
        out_v[pl.ds(b0, L)] = 1.0 / (1.0 + jnp.exp(-acc))

    pltpu.sync_copy(out_v, out_hbm.at[pl.ds(base, BPW)])


def _sc_call(xst, tab, den):
    mesh = plsc.VectorSubcoreMesh(core_axis_name="c", subcore_axis_name="s",
                                  num_cores=NC, num_subcores=NS)
    return pl.kernel(
        _sc_body,
        out_type=jax.ShapeDtypeStruct((B,), jnp.float32),
        mesh=mesh,
        compiler_params=pltpu.CompilerParams(needs_layout_passes=False,
                                             use_tc_tiling_on_sc=False),
        scratch_types=[
            pltpu.VMEM((BPW * F,), jnp.int32),
            pltpu.VMEM((BPW * F,), jnp.float32),
            pltpu.VMEM((BPW,), jnp.float32),
            pltpu.VMEM((BPW,), jnp.float32),
            pltpu.SemaphoreType.DMA,
            pltpu.SemaphoreType.DMA,
        ],
    )(xst, tab, den)


def kernel(X_sparse, X_dense, lin_table, W):
    tab = lin_table[:, :, 0]
    xst = X_sparse.T
    den = _dense_logit(X_dense, W[:, 0])
    out = _sc_call(xst, tab, den)
    return out.reshape(B, 1)

# --- scband reference (transcript-rebuilt; emitter-appended) ---
"""Pipeline reference for scband-base-model-12163347382280 (READ-ONLY COPY).

The authoritative reference and input builder live on the scoring server;
editing this copy changes nothing except your own understanding.
"""

import jax, jax.numpy as jnp
import numpy as np

B = 16384
F_SPARSE = 26
F_DENSE = 13
VOCAB = 1000000
INIT_STD = 1e-4


def setup_inputs(seed: int = 0) -> dict:
    key = jax.random.key(seed)
    k1, k2, k3, k4 = jax.random.split(key, 4)
    X_sparse = jax.random.randint(k1, (B, F_SPARSE), 0, VOCAB, dtype=jnp.int32)
    X_dense = jax.random.uniform(k2, (B, F_DENSE), dtype=jnp.float32)
    # Linear embedding tables (embedding_dim=1, one table per sparse field, stacked)
    lin_table = jax.random.normal(k3, (F_SPARSE, VOCAB, 1), dtype=jnp.float32) * INIT_STD
    # Dense-feature linear weight
    W = jax.random.normal(k4, (F_DENSE, 1), dtype=jnp.float32) * INIT_STD
    return {"X_sparse": X_sparse, "X_dense": X_dense, "lin_table": lin_table, "W": W}


def reference(X_sparse, X_dense, lin_table, W):
    # Per-field embedding lookup: lin_table[f, X_sparse[b, f], 0] -> [B, F_SPARSE]
    field_idx = jnp.arange(F_SPARSE)[None, :]
    sparse_emb = lin_table[field_idx, X_sparse, 0]  # gather, [B, F_SPARSE]
    # torch: cat embeddings along dim=-1 then sum(dim=-1, keepdim) -> [B, 1]
    sparse_logit = jnp.sum(sparse_emb, axis=-1, keepdims=True)
    # dense branch: cat dense values then matmul weight -> [B, 1]
    dense_logit = X_dense @ W
    linear_logit = jnp.zeros((X_sparse.shape[0], 1), dtype=jnp.float32) + sparse_logit + dense_logit
    # PredictionLayer(task='binary') applies sigmoid
    return jax.nn.sigmoid(linear_logit)

if __name__ == "__main__":
    import jax
    _d = setup_inputs()
    print(jax.jit(kernel)(*tuple(_d.values())))

</pallas_src>

<mosaic_0001>
#map = affine_map<(d0, d1) -> (0, 0)>
#map1 = affine_map<(d0, d1) -> (0)>
module attributes {stable_mosaic.version = 14 : i64} {
  func.func @_sc_body(%arg0: i32, %arg1: i32, %arg2: memref<26x16384xi32, #tpu.memory_space<hbm>>, %arg3: memref<26x1000000xf32, #tpu.memory_space<hbm>>, %arg4: memref<16384xf32, #tpu.memory_space<hbm>>, %arg5: memref<16384xf32, #tpu.memory_space<hbm>>, %arg6: memref<13312xi32, #tpu.memory_space<vmem>>, %arg7: memref<13312xf32, #tpu.memory_space<vmem>>, %arg8: memref<512xf32, #tpu.memory_space<vmem>>, %arg9: memref<512xf32, #tpu.memory_space<vmem>>, %arg10: memref<!tpu.dma_semaphore, #tpu.memory_space<semaphore_mem>>, %arg11: memref<!tpu.dma_semaphore, #tpu.memory_space<semaphore_mem>>) attributes {dimension_semantics = [#tpu.dimension_semantics<core_parallel>, #tpu.dimension_semantics<subcore_parallel>], iteration_bounds = array<i64: 2, 16>, scalar_prefetch = 0 : i64, scratch_operands = 6 : i64, tpu.core_type = #tpu.core_type<sc_vector_subcore>, window_params = [{transform_indices = #map}, {transform_indices = #map}, {transform_indices = #map1}, {transform_indices = #map1}]} {
    %mul3A = arith.constant 2 : i32
    %mul3A_0 = arith.muli %arg1, %mul3A : i32
    %add3A = arith.addi %mul3A_0, %arg0 : i32
    %mul3A_1 = arith.constant 512 : i32
    %mul3A_2 = arith.muli %add3A, %mul3A_1 : i32
    %dma_start3A = arith.constant 0 : i32
    %dma_start3A_3 = arith.constant 0 : i32
    %dma_start3A_4 = tpu.memref_slice %arg6[%dma_start3A_3] : memref<13312xi32, #tpu.memory_space<vmem>> -> memref<512xi32, #tpu.memory_space<vmem>>
    %dma_start3A_5 = arith.constant 0 : i32
    %dma_start3A_6 = tpu.memref_slice %arg2[%dma_start3A, %dma_start3A_5] : memref<26x16384xi32, #tpu.memory_space<hbm>> -> memref<1x16384xi32, #tpu.memory_space<hbm>>
    %dma_start3A_7 = tpu.memref_squeeze %dma_start3A_6 : memref<1x16384xi32, #tpu.memory_space<hbm>> -> memref<16384xi32, #tpu.memory_space<hbm>>
    %dma_start3A_8 = tpu.memref_slice %dma_start3A_7[%mul3A_2] : memref<16384xi32, #tpu.memory_space<hbm>> -> memref<512xi32, #tpu.memory_space<hbm>>
    %dma_start3A_9 = arith.constant 0 : i32
    %dma_start3A_10 = tpu.memref_slice %arg6[%dma_start3A_9] : memref<13312xi32, #tpu.memory_space<vmem>> -> memref<512xi32, #tpu.memory_space<vmem>>
    %dma_start3A_11 = arith.constant 0 : i32
    %dma_start3A_12 = tpu.memref_slice %arg2[%dma_start3A, %dma_start3A_11] : memref<26x16384xi32, #tpu.memory_space<hbm>> -> memref<1x16384xi32, #tpu.memory_space<hbm>>
    %dma_start3A_13 = tpu.memref_squeeze %dma_start3A_12 : memref<1x16384xi32, #tpu.memory_space<hbm>> -> memref<16384xi32, #tpu.memory_space<hbm>>
    %dma_start3A_14 = tpu.memref_slice %dma_start3A_13[%mul3A_2] : memref<16384xi32, #tpu.memory_space<hbm>> -> memref<512xi32, #tpu.memory_space<hbm>>
    tpu.enqueue_dma source(%dma_start3A_14 : memref<512xi32, #tpu.memory_space<hbm>>) target(%dma_start3A_10 : memref<512xi32, #tpu.memory_space<vmem>>) target_semaphore(%arg10 : memref<!tpu.dma_semaphore, #tpu.memory_space<semaphore_mem>>)
    %dma_start3A_15 = arith.constant 1 : i32
    %dma_start3A_16 = arith.constant 512 : i32
    %dma_start3A_17 = tpu.memref_slice %arg6[%dma_start3A_16] : memref<13312xi32, #tpu.memory_space<vmem>> -> memref<512xi32, #tpu.memory_space<vmem>>
    %dma_start3A_18 = arith.constant 0 : i32
    %dma_start3A_19 = tpu.memref_slice %arg2[%dma_start3A_15, %dma_start3A_18] : memref<26x16384xi32, #tpu.memory_space<hbm>> -> memref<1x16384xi32, #tpu.memory_space<hbm>>
    %dma_start3A_20 = tpu.memref_squeeze %dma_start3A_19 : memref<1x16384xi32, #tpu.memory_space<hbm>> -> memref<16384xi32, #tpu.memory_space<hbm>>
    %dma_start3A_21 = tpu.memref_slice %dma_start3A_20[%mul3A_2] : memref<16384xi32, #tpu.memory_space<hbm>> -> memref<512xi32, #tpu.memory_space<hbm>>
    %dma_start3A_22 = arith.constant 512 : i32
    %dma_start3A_23 = tpu.memref_slice %arg6[%dma_start3A_22] : memref<13312xi32, #tpu.memory_space<vmem>> -> memref<512xi32, #tpu.memory_space<vmem>>
    %dma_start3A_24 = arith.constant 0 : i32
    %dma_start3A_25 = tpu.memref_slice %arg2[%dma_start3A_15, %dma_start3A_24] : memref<26x16384xi32, #tpu.memory_space<hbm>> -> memref<1x16384xi32, #tpu.memory_space<hbm>>
    %dma_start3A_26 = tpu.memref_squeeze %dma_start3A_25 : memref<1x16384xi32, #tpu.memory_space<hbm>> -> memref<16384xi32, #tpu.memory_space<hbm>>
    %dma_start3A_27 = tpu.memref_slice %dma_start3A_26[%mul3A_2] : memref<16384xi32, #tpu.memory_space<hbm>> -> memref<512xi32, #tpu.memory_space<hbm>>
    tpu.enqueue_dma source(%dma_start3A_27 : memref<512xi32, #tpu.memory_space<hbm>>) target(%dma_start3A_23 : memref<512xi32, #tpu.memory_space<vmem>>) target_semaphore(%arg10 : memref<!tpu.dma_semaphore, #tpu.memory_space<semaphore_mem>>)
    %dma_start3A_28 = arith.constant 2 : i32
    %dma_start3A_29 = arith.constant 1024 : i32
    %dma_start3A_30 = tpu.memref_slice %arg6[%dma_start3A_29] : memref<13312xi32, #tpu.memory_space<vmem>> -> memref<512xi32, #tpu.memory_space<vmem>>
    %dma_start3A_31 = arith.constant 0 : i32
    %dma_start3A_32 = tpu.memref_slice %arg2[%dma_start3A_28, %dma_start3A_31] : memref<26x16384xi32, #tpu.memory_space<hbm>> -> memref<1x16384xi32, #tpu.memory_space<hbm>>
    %dma_start3A_33 = tpu.memref_squeeze %dma_start3A_32 : memref<1x16384xi32, #tpu.memory_space<hbm>> -> memref<16384xi32, #tpu.memory_space<hbm>>
    %dma_start3A_34 = tpu.memref_slice %dma_start3A_33[%mul3A_2] : memref<16384xi32, #tpu.memory_space<hbm>> -> memref<512xi32, #tpu.memory_space<hbm>>
    %dma_start3A_35 = arith.constant 1024 : i32
    %dma_start3A_36 = tpu.memref_slice %arg6[%dma_start3A_35] : memref<13312xi32, #tpu.memory_space<vmem>> -> memref<512xi32, #tpu.memory_space<vmem>>
    %dma_start3A_37 = arith.constant 0 : i32
    %dma_start3A_38 = tpu.memref_slice %arg2[%dma_start3A_28, %dma_start3A_37] : memref<26x16384xi32, #tpu.memory_space<hbm>> -> memref<1x16384xi32, #tpu.memory_space<hbm>>
    %dma_start3A_39 = tpu.memref_squeeze %dma_start3A_38 : memref<1x16384xi32, #tpu.memory_space<hbm>> -> memref<16384xi32, #tpu.memory_space<hbm>>
    %dma_start3A_40 = tpu.memref_slice %dma_start3A_39[%mul3A_2] : memref<16384xi32, #tpu.memory_space<hbm>> -> memref<512xi32, #tpu.memory_space<hbm>>
    tpu.enqueue_dma source(%dma_start3A_40 : memref<512xi32, #tpu.memory_space<hbm>>) target(%dma_start3A_36 : memref<512xi32, #tpu.memory_space<vmem>>) target_semaphore(%arg10 : memref<!tpu.dma_semaphore, #tpu.memory_space<semaphore_mem>>)
    %dma_start3A_41 = arith.constant 3 : i32
    %dma_start3A_42 = arith.constant 1536 : i32
    %dma_start3A_43 = tpu.memref_slice %arg6[%dma_start3A_42] : memref<13312xi32, #tpu.memory_space<vmem>> -> memref<512xi32, #tpu.memory_space<vmem>>
    %dma_start3A_44 = arith.constant 0 : i32
    %dma_start3A_45 = tpu.memref_slice %arg2[%dma_start3A_41, %dma_start3A_44] : memref<26x16384xi32, #tpu.memory_space<hbm>> -> memref<1x16384xi32, #tpu.memory_space<hbm>>
    %dma_start3A_46 = tpu.memref_squeeze %dma_start3A_45 : memref<1x16384xi32, #tpu.memory_space<hbm>> -> memref<16384xi32, #tpu.memory_space<hbm>>
    %dma_start3A_47 = tpu.memref_slice %dma_start3A_46[%mul3A_2] : memref<16384xi32, #tpu.memory_space<hbm>> -> memref<512xi32, #tpu.memory_space<hbm>>
    %dma_start3A_48 = arith.constant 1536 : i32
    %dma_start3A_49 = tpu.memref_slice %arg6[%dma_start3A_48] : memref<13312xi32, #tpu.memory_space<vmem>> -> memref<512xi32, #tpu.memory_space<vmem>>
    %dma_start3A_50 = arith.constant 0 : i32
    %dma_start3A_51 = tpu.memref_slice %arg2[%dma_start3A_41, %dma_start3A_50] : memref<26x16384xi32, #tpu.memory_space<hbm>> -> memref<1x16384xi32, #tpu.memory_space<hbm>>
    %dma_start3A_52 = tpu.memref_squeeze %dma_start3A_51 : memref<1x16384xi32, #tpu.memory_space<hbm>> -> memref<16384xi32, #tpu.memory_space<hbm>>
    %dma_start3A_53 = tpu.memref_slice %dma_start3A_52[%mul3A_2] : memref<16384xi32, #tpu.memory_space<hbm>> -> memref<512xi32, #tpu.memory_space<hbm>>
    tpu.enqueue_dma source(%dma_start3A_53 : memref<512xi32, #tpu.memory_space<hbm>>) target(%dma_start3A_49 : memref<512xi32, #tpu.memory_space<vmem>>) target_semaphore(%arg10 : memref<!tpu.dma_semaphore, #tpu.memory_space<semaphore_mem>>)
    %dma_start3A_54 = arith.constant 4 : i32
    %dma_start3A_55 = arith.constant 2048 : i32
    %dma_start3A_56 = tpu.memref_slice %arg6[%dma_start3A_55] : memref<13312xi32, #tpu.memory_space<vmem>> -> memref<512xi32, #tpu.memory_space<vmem>>
    %dma_start3A_57 = arith.constant 0 : i32
    %dma_start3A_58 = tpu.memref_slice %arg2[%dma_start3A_54, %dma_start3A_57] : memref<26x16384xi32, #tpu.memory_space<hbm>> -> memref<1x16384xi32, #tpu.memory_space<hbm>>
    %dma_start3A_59 = tpu.memref_squeeze %dma_start3A_58 : memref<1x16384xi32, #tpu.memory_space<hbm>> -> memref<16384xi32, #tpu.memory_space<hbm>>
    %dma_start3A_60 = tpu.memref_slice %dma_start3A_59[%mul3A_2] : memref<16384xi32, #tpu.memory_space<hbm>> -> memref<512xi32, #tpu.memory_space<hbm>>
    %dma_start3A_61 = arith.constant 2048 : i32
    %dma_start3A_62 = tpu.memref_slice %arg6[%dma_start3A_61] : memref<13312xi32, #tpu.memory_space<vmem>> -> memref<512xi32, #tpu.memory_space<vmem>>
    %dma_start3A_63 = arith.constant 0 : i32
    %dma_start3A_64 = tpu.memref_slice %arg2[%dma_start3A_54, %dma_start3A_63] : memref<26x16384xi32, #tpu.memory_space<hbm>> -> memref<1x16384xi32, #tpu.memory_space<hbm>>
    %dma_start3A_65 = tpu.memref_squeeze %dma_start3A_64 : memref<1x16384xi32, #tpu.memory_space<hbm>> -> memref<16384xi32, #tpu.memory_space<hbm>>
    %dma_start3A_66 = tpu.memref_slice %dma_start3A_65[%mul3A_2] : memref<16384xi32, #tpu.memory_space<hbm>> -> memref<512xi32, #tpu.memory_space<hbm>>
    tpu.enqueue_dma source(%dma_start3A_66 : memref<512xi32, #tpu.memory_space<hbm>>) target(%dma_start3A_62 : memref<512xi32, #tpu.memory_space<vmem>>) target_semaphore(%arg10 : memref<!tpu.dma_semaphore, #tpu.memory_space<semaphore_mem>>)
    %dma_start3A_67 = arith.constant 5 : i32
    %dma_start3A_68 = arith.constant 2560 : i32
    %dma_start3A_69 = tpu.memref_slice %arg6[%dma_start3A_68] : memref<13312xi32, #tpu.memory_space<vmem>> -> memref<512xi32, #tpu.memory_space<vmem>>
    %dma_start3A_70 = arith.constant 0 : i32
    %dma_start3A_71 = tpu.memref_slice %arg2[%dma_start3A_67, %dma_start3A_70] : memref<26x16384xi32, #tpu.memory_space<hbm>> -> memref<1x16384xi32, #tpu.memory_space<hbm>>
    %dma_start3A_72 = tpu.memref_squeeze %dma_start3A_71 : memref<1x16384xi32, #tpu.memory_space<hbm>> -> memref<16384xi32, #tpu.memory_space<hbm>>
    %dma_start3A_73 = tpu.memref_slice %dma_start3A_72[%mul3A_2] : memref<16384xi32, #tpu.memory_space<hbm>> -> memref<512xi32, #tpu.memory_space<hbm>>
    %dma_start3A_74 = arith.constant 2560 : i32
    %dma_start3A_75 = tpu.memref_slice %arg6[%dma_start3A_74] : memref<13312xi32, #tpu.memory_space<vmem>> -> memref<512xi32, #tpu.memory_space<vmem>>
    %dma_start3A_76 = arith.constant 0 : i32
    %dma_start3A_77 = tpu.memref_slice %arg2[%dma_start3A_67, %dma_start3A_76] : memref<26x16384xi32, #tpu.memory_space<hbm>> -> memref<1x16384xi32, #tpu.memory_space<hbm>>
    %dma_start3A_78 = tpu.memref_squeeze %dma_start3A_77 : memref<1x16384xi32, #tpu.memory_space<hbm>> -> memref<16384xi32, #tpu.memory_space<hbm>>
    %dma_start3A_79 = tpu.memref_slice %dma_start3A_78[%mul3A_2] : memref<16384xi32, #tpu.memory_space<hbm>> -> memref<512xi32, #tpu.memory_space<hbm>>
    tpu.enqueue_dma source(%dma_start3A_79 : memref<512xi32, #tpu.memory_space<hbm>>) target(%dma_start3A_75 : memref<512xi32, #tpu.memory_space<vmem>>) target_semaphore(%arg10 : memref<!tpu.dma_semaphore, #tpu.memory_space<semaphore_mem>>)
    %dma_start3A_80 = arith.constant 6 : i32
    %dma_start3A_81 = arith.constant 3072 : i32
    %dma_start3A_82 = tpu.memref_slice %arg6[%dma_start3A_81] : memref<13312xi32, #tpu.memory_space<vmem>> -> memref<512xi32, #tpu.memory_space<vmem>>
    %dma_start3A_83 = arith.constant 0 : i32
    %dma_start3A_84 = tpu.memref_slice %arg2[%dma_start3A_80, %dma_start3A_83] : memref<26x16384xi32, #tpu.memory_space<hbm>> -> memref<1x16384xi32, #tpu.memory_space<hbm>>
    %dma_start3A_85 = tpu.memref_squeeze %dma_start3A_84 : memref<1x16384xi32, #tpu.memory_space<hbm>> -> memref<16384xi32, #tpu.memory_space<hbm>>
    %dma_start3A_86 = tpu.memref_slice %dma_start3A_85[%mul3A_2] : memref<16384xi32, #tpu.memory_space<hbm>> -> memref<512xi32, #tpu.memory_space<hbm>>
    %dma_start3A_87 = arith.constant 3072 : i32
    %dma_start3A_88 = tpu.memref_slice %arg6[%dma_start3A_87] : memref<13312xi32, #tpu.memory_space<vmem>> -> memref<512xi32, #tpu.memory_space<vmem>>
    %dma_start3A_89 = arith.constant 0 : i32
    %dma_start3A_90 = tpu.memref_slice %arg2[%dma_start3A_80, %dma_start3A_89] : memref<26x16384xi32, #tpu.memory_space<hbm>> -> memref<1x16384xi32, #tpu.memory_space<hbm>>
    %dma_start3A_91 = tpu.memref_squeeze %dma_start3A_90 : memref<1x16384xi32, #tpu.memory_space<hbm>> -> memref<16384xi32, #tpu.memory_space<hbm>>
    %dma_start3A_92 = tpu.memref_slice %dma_start3A_91[%mul3A_2] : memref<16384xi32, #tpu.memory_space<hbm>> -> memref<512xi32, #tpu.memory_space<hbm>>
    tpu.enqueue_dma source(%dma_start3A_92 : memref<512xi32, #tpu.memory_space<hbm>>) target(%dma_start3A_88 : memref<512xi32, #tpu.memory_space<vmem>>) target_semaphore(%arg10 : memref<!tpu.dma_semaphore, #tpu.memory_space<semaphore_mem>>)
    %dma_start3A_93 = arith.constant 7 : i32
    %dma_start3A_94 = arith.constant 3584 : i32
    %dma_start3A_95 = tpu.memref_slice %arg6[%dma_start3A_94] : memref<13312xi32, #tpu.memory_space<vmem>> -> memref<512xi32, #tpu.memory_space<vmem>>
    %dma_start3A_96 = arith.constant 0 : i32
    %dma_start3A_97 = tpu.memref_slice %arg2[%dma_start3A_93, %dma_start3A_96] : memref<26x16384xi32, #tpu.memory_space<hbm>> -> memref<1x16384xi32, #tpu.memory_space<hbm>>
    %dma_start3A_98 = tpu.memref_squeeze %dma_start3A_97 : memref<1x16384xi32, #tpu.memory_space<hbm>> -> memref<16384xi32, #tpu.memory_space<hbm>>
    %dma_start3A_99 = tpu.memref_slice %dma_start3A_98[%mul3A_2] : memref<16384xi32, #tpu.memory_space<hbm>> -> memref<512xi32, #tpu.memory_space<hbm>>
    %dma_start3A_100 = arith.constant 3584 : i32
    %dma_start3A_101 = tpu.memref_slice %arg6[%dma_start3A_100] : memref<13312xi32, #tpu.memory_space<vmem>> -> memref<512xi32, #tpu.memory_space<vmem>>
    %dma_start3A_102 = arith.constant 0 : i32
    %dma_start3A_103 = tpu.memref_slice %arg2[%dma_start3A_93, %dma_start3A_102] : memref<26x16384xi32, #tpu.memory_space<hbm>> -> memref<1x16384xi32, #tpu.memory_space<hbm>>
    %dma_start3A_104 = tpu.memref_squeeze %dma_start3A_103 : memref<1x16384xi32, #tpu.memory_space<hbm>> -> memref<16384xi32, #tpu.memory_space<hbm>>
    %dma_start3A_105 = tpu.memref_slice %dma_start3A_104[%mul3A_2] : memref<16384xi32, #tpu.memory_space<hbm>> -> memref<512xi32, #tpu.memory_space<hbm>>
    tpu.enqueue_dma source(%dma_start3A_105 : memref<512xi32, #tpu.memory_space<hbm>>) target(%dma_start3A_101 : memref<512xi32, #tpu.memory_space<vmem>>) target_semaphore(%arg10 : memref<!tpu.dma_semaphore, #tpu.memory_space<semaphore_mem>>)
    %dma_start3A_106 = arith.constant 8 : i32
    %dma_start3A_107 = arith.constant 4096 : i32
    %dma_start3A_108 = tpu.memref_slice %arg6[%dma_start3A_107] : memref<13312xi32, #tpu.memory_space<vmem>> -> memref<512xi32, #tpu.memory_space<vmem>>
    %dma_start3A_109 = arith.constant 0 : i32
    %dma_start3A_110 = tpu.memref_slice %arg2[%dma_start3A_106, %dma_start3A_109] : memref<26x16384xi32, #tpu.memory_space<hbm>> -> memref<1x16384xi32, #tpu.memory_space<hbm>>
    %dma_start3A_111 = tpu.memref_squeeze %dma_start3A_110 : memref<1x16384xi32, #tpu.memory_space<hbm>> -> memref<16384xi32, #tpu.memory_space<hbm>>
    %dma_start3A_112 = tpu.memref_slice %dma_start3A_111[%mul3A_2] : memref<16384xi32, #tpu.memory_space<hbm>> -> memref<512xi32, #tpu.memory_space<hbm>>
    %dma_start3A_113 = arith.constant 4096 : i32
    %dma_start3A_114 = tpu.memref_slice %arg6[%dma_start3A_113] : memref<13312xi32, #tpu.memory_space<vmem>> -> memref<512xi32, #tpu.memory_space<vmem>>
    %dma_start3A_115 = arith.constant 0 : i32
    %dma_start3A_116 = tpu.memref_slice %arg2[%dma_start3A_106, %dma_start3A_115] : memref<26x16384xi32, #tpu.memory_space<hbm>> -> memref<1x16384xi32, #tpu.memory_space<hbm>>
    %dma_start3A_117 = tpu.memref_squeeze %dma_start3A_116 : memref<1x16384xi32, #tpu.memory_space<hbm>> -> memref<16384xi32, #tpu.memory_space<hbm>>
    %dma_start3A_118 = tpu.memref_slice %dma_start3A_117[%mul3A_2] : memref<16384xi32, #tpu.memory_space<hbm>> -> memref<512xi32, #tpu.memory_space<hbm>>
    tpu.enqueue_dma source(%dma_start3A_118 : memref<512xi32, #tpu.memory_space<hbm>>) target(%dma_start3A_114 : memref<512xi32, #tpu.memory_space<vmem>>) target_semaphore(%arg10 : memref<!tpu.dma_semaphore, #tpu.memory_space<semaphore_mem>>)
    %dma_start3A_119 = arith.constant 9 : i32
    %dma_start3A_120 = arith.constant 4608 : i32
    %dma_start3A_121 = tpu.memref_slice %arg6[%dma_start3A_120] : memref<13312xi32, #tpu.memory_space<vmem>> -> memref<512xi32, #tpu.memory_space<vmem>>
    %dma_start3A_122 = arith.constant 0 : i32
    %dma_start3A_123 = tpu.memref_slice %arg2[%dma_start3A_119, %dma_start3A_122] : memref<26x16384xi32, #tpu.memory_space<hbm>> -> memref<1x16384xi32, #tpu.memory_space<hbm>>
    %dma_start3A_124 = tpu.memref_squeeze %dma_start3A_123 : memref<1x16384xi32, #tpu.memory_space<hbm>> -> memref<16384xi32, #tpu.memory_space<hbm>>
    %dma_start3A_125 = tpu.memref_slice %dma_start3A_124[%mul3A_2] : memref<16384xi32, #tpu.memory_space<hbm>> -> memref<512xi32, #tpu.memory_space<hbm>>
    %dma_start3A_126 = arith.constant 4608 : i32
    %dma_start3A_127 = tpu.memref_slice %arg6[%dma_start3A_126] : memref<13312xi32, #tpu.memory_space<vmem>> -> memref<512xi32, #tpu.memory_space<vmem>>
    %dma_start3A_128 = arith.constant 0 : i32
    %dma_start3A_129 = tpu.memref_slice %arg2[%dma_start3A_119, %dma_start3A_128] : memref<26x16384xi32, #tpu.memory_space<hbm>> -> memref<1x16384xi32, #tpu.memory_space<hbm>>
    %dma_start3A_130 = tpu.memref_squeeze %dma_start3A_129 : memref<1x16384xi32, #tpu.memory_space<hbm>> -> memref<16384xi32, #tpu.memory_space<hbm>>
    %dma_start3A_131 = tpu.memref_slice %dma_start3A_130[%mul3A_2] : memref<16384xi32, #tpu.memory_space<hbm>> -> memref<512xi32, #tpu.memory_space<hbm>>
    tpu.enqueue_dma source(%dma_start3A_131 : memref<512xi32, #tpu.memory_space<hbm>>) target(%dma_start3A_127 : memref<512xi32, #tpu.memory_space<vmem>>) target_semaphore(%arg10 : memref<!tpu.dma_semaphore, #tpu.memory_space<semaphore_mem>>)
    %dma_start3A_132 = arith.constant 10 : i32
    %dma_start3A_133 = arith.constant 5120 : i32
    %dma_start3A_134 = tpu.memref_slice %arg6[%dma_start3A_133] : memref<13312xi32, #tpu.memory_space<vmem>> -> memref<512xi32, #tpu.memory_space<vmem>>
    %dma_start3A_135 = arith.constant 0 : i32
    %dma_start3A_136 = tpu.memref_slice %arg2[%dma_start3A_132, %dma_start3A_135] : memref<26x16384xi32, #tpu.memory_space<hbm>> -> memref<1x16384xi32, #tpu.memory_space<hbm>>
    %dma_start3A_137 = tpu.memref_squeeze %dma_start3A_136 : memref<1x16384xi32, #tpu.memory_space<hbm>> -> memref<16384xi32, #tpu.memory_space<hbm>>
    %dma_start3A_138 = tpu.memref_slice %dma_start3A_137[%mul3A_2] : memref<16384xi32, #tpu.memory_space<hbm>> -> memref<512xi32, #tpu.memory_space<hbm>>
    %dma_start3A_139 = arith.constant 5120 : i32
    %dma_start3A_140 = tpu.memref_slice %arg6[%dma_start3A_139] : memref<13312xi32, #tpu.memory_space<vmem>> -> memref<512xi32, #tpu.memory_space<vmem>>
    %dma_start3A_141 = arith.constant 0 : i32
    %dma_start3A_142 = tpu.memref_slice %arg2[%dma_start3A_132, %dma_start3A_141] : memref<26x16384xi32, #tpu.memory_space<hbm>> -> memref<1x16384xi32, #tpu.memory_space<hbm>>
    %dma_start3A_143 = tpu.memref_squeeze %dma_start3A_142 : memref<1x16384xi32, #tpu.memory_space<hbm>> -> memref<16384xi32, #tpu.memory_space<hbm>>
    %dma_start3A_144 = tpu.memref_slice %dma_start3A_143[%mul3A_2] : memref<16384xi32, #tpu.memory_space<hbm>> -> memref<512xi32, #tpu.memory_space<hbm>>
    tpu.enqueue_dma source(%dma_start3A_144 : memref<512xi32, #tpu.memory_space<hbm>>) target(%dma_start3A_140 : memref<512xi32, #tpu.memory_space<vmem>>) target_semaphore(%arg10 : memref<!tpu.dma_semaphore, #tpu.memory_space<semaphore_mem>>)
    %dma_start3A_145 = arith.constant 11 : i32
    %dma_start3A_146 = arith.constant 5632 : i32
    %dma_start3A_147 = tpu.memref_slice %arg6[%dma_start3A_146] : memref<13312xi32, #tpu.memory_space<vmem>> -> memref<512xi32, #tpu.memory_space<vmem>>
    %dma_start3A_148 = arith.constant 0 : i32
    %dma_start3A_149 = tpu.memref_slice %arg2[%dma_start3A_145, %dma_start3A_148] : memref<26x16384xi32, #tpu.memory_space<hbm>> -> memref<1x16384xi32, #tpu.memory_space<hbm>>
    %dma_start3A_150 = tpu.memref_squeeze %dma_start3A_149 : memref<1x16384xi32, #tpu.memory_space<hbm>> -> memref<16384xi32, #tpu.memory_space<hbm>>
    %dma_start3A_151 = tpu.memref_slice %dma_start3A_150[%mul3A_2] : memref<16384xi32, #tpu.memory_space<hbm>> -> memref<512xi32, #tpu.memory_space<hbm>>
    %dma_start3A_152 = arith.constant 5632 : i32
    %dma_start3A_153 = tpu.memref_slice %arg6[%dma_start3A_152] : memref<13312xi32, #tpu.memory_space<vmem>> -> memref<512xi32, #tpu.memory_space<vmem>>
    %dma_start3A_154 = arith.constant 0 : i32
    %dma_start3A_155 = tpu.memref_slice %arg2[%dma_start3A_145, %dma_start3A_154] : memref<26x16384xi32, #tpu.memory_space<hbm>> -> memref<1x16384xi32, #tpu.memory_space<hbm>>
    %dma_start3A_156 = tpu.memref_squeeze %dma_start3A_155 : memref<1x16384xi32, #tpu.memory_space<hbm>> -> memref<16384xi32, #tpu.memory_space<hbm>>
    %dma_start3A_157 = tpu.memref_slice %dma_start3A_156[%mul3A_2] : memref<16384xi32, #tpu.memory_space<hbm>> -> memref<512xi32, #tpu.memory_space<hbm>>
    tpu.enqueue_dma source(%dma_start3A_157 : memref<512xi32, #tpu.memory_space<hbm>>) target(%dma_start3A_153 : memref<512xi32, #tpu.memory_space<vmem>>) target_semaphore(%arg10 : memref<!tpu.dma_semaphore, #tpu.memory_space<semaphore_mem>>)
    %dma_start3A_158 = arith.constant 12 : i32
    %dma_start3A_159 = arith.constant 6144 : i32
    %dma_start3A_160 = tpu.memref_slice %arg6[%dma_start3A_159] : memref<13312xi32, #tpu.memory_space<vmem>> -> memref<512xi32, #tpu.memory_space<vmem>>
    %dma_start3A_161 = arith.constant 0 : i32
    %dma_start3A_162 = tpu.memref_slice %arg2[%dma_start3A_158, %dma_start3A_161] : memref<26x16384xi32, #tpu.memory_space<hbm>> -> memref<1x16384xi32, #tpu.memory_space<hbm>>
    %dma_start3A_163 = tpu.memref_squeeze %dma_start3A_162 : memref<1x16384xi32, #tpu.memory_space<hbm>> -> memref<16384xi32, #tpu.memory_space<hbm>>
    %dma_start3A_164 = tpu.memref_slice %dma_start3A_163[%mul3A_2] : memref<16384xi32, #tpu.memory_space<hbm>> -> memref<512xi32, #tpu.memory_space<hbm>>
    %dma_start3A_165 = arith.constant 6144 : i32
    %dma_start3A_166 = tpu.memref_slice %arg6[%dma_start3A_165] : memref<13312xi32, #tpu.memory_space<vmem>> -> memref<512xi32, #tpu.memory_space<vmem>>
    %dma_start3A_167 = arith.constant 0 : i32
    %dma_start3A_168 = tpu.memref_slice %arg2[%dma_start3A_158, %dma_start3A_167] : memref<26x16384xi32, #tpu.memory_space<hbm>> -> memref<1x16384xi32, #tpu.memory_space<hbm>>
    %dma_start3A_169 = tpu.memref_squeeze %dma_start3A_168 : memref<1x16384xi32, #tpu.memory_space<hbm>> -> memref<16384xi32, #tpu.memory_space<hbm>>
    %dma_start3A_170 = tpu.memref_slice %dma_start3A_169[%mul3A_2] : memref<16384xi32, #tpu.memory_space<hbm>> -> memref<512xi32, #tpu.memory_space<hbm>>
    tpu.enqueue_dma source(%dma_start3A_170 : memref<512xi32, #tpu.memory_space<hbm>>) target(%dma_start3A_166 : memref<512xi32, #tpu.memory_space<vmem>>) target_semaphore(%arg10 : memref<!tpu.dma_semaphore, #tpu.memory_space<semaphore_mem>>)
    %dma_start3A_171 = arith.constant 13 : i32
    %dma_start3A_172 = arith.constant 6656 : i32
    %dma_start3A_173 = tpu.memref_slice %arg6[%dma_start3A_172] : memref<13312xi32, #tpu.memory_space<vmem>> -> memref<512xi32, #tpu.memory_space<vmem>>
    %dma_start3A_174 = arith.constant 0 : i32
    %dma_start3A_175 = tpu.memref_slice %arg2[%dma_start3A_171, %dma_start3A_174] : memref<26x16384xi32, #tpu.memory_space<hbm>> -> memref<1x16384xi32, #tpu.memory_space<hbm>>
    %dma_start3A_176 = tpu.memref_squeeze %dma_start3A_175 : memref<1x16384xi32, #tpu.memory_space<hbm>> -> memref<16384xi32, #tpu.memory_space<hbm>>
    %dma_start3A_177 = tpu.memref_slice %dma_start3A_176[%mul3A_2] : memref<16384xi32, #tpu.memory_space<hbm>> -> memref<512xi32, #tpu.memory_space<hbm>>
    %dma_start3A_178 = arith.constant 6656 : i32
    %dma_start3A_179 = tpu.memref_slice %arg6[%dma_start3A_178] : memref<13312xi32, #tpu.memory_space<vmem>> -> memref<512xi32, #tpu.memory_space<vmem>>
    %dma_start3A_180 = arith.constant 0 : i32
    %dma_start3A_181 = tpu.memref_slice %arg2[%dma_start3A_171, %dma_start3A_180] : memref<26x16384xi32, #tpu.memory_space<hbm>> -> memref<1x16384xi32, #tpu.memory_space<hbm>>
    %dma_start3A_182 = tpu.memref_squeeze %dma_start3A_181 : memref<1x16384xi32, #tpu.memory_space<hbm>> -> memref<16384xi32, #tpu.memory_space<hbm>>
    %dma_start3A_183 = tpu.memref_slice %dma_start3A_182[%mul3A_2] : memref<16384xi32, #tpu.memory_space<hbm>> -> memref<512xi32, #tpu.memory_space<hbm>>
    tpu.enqueue_dma source(%dma_start3A_183 : memref<512xi32, #tpu.memory_space<hbm>>) target(%dma_start3A_179 : memref<512xi32, #tpu.memory_space<vmem>>) target_semaphore(%arg10 : memref<!tpu.dma_semaphore, #tpu.memory_space<semaphore_mem>>)
    %dma_start3A_184 = arith.constant 14 : i32
    %dma_start3A_185 = arith.constant 7168 : i32
    %dma_start3A_186 = tpu.memref_slice %arg6[%dma_start3A_185] : memref<13312xi32, #tpu.memory_space<vmem>> -> memref<512xi32, #tpu.memory_space<vmem>>
    %dma_start3A_187 = arith.constant 0 : i32
    %dma_start3A_188 = tpu.memref_slice %arg2[%dma_start3A_184, %dma_start3A_187] : memref<26x16384xi32, #tpu.memory_space<hbm>> -> memref<1x16384xi32, #tpu.memory_space<hbm>>
    %dma_start3A_189 = tpu.memref_squeeze %dma_start3A_188 : memref<1x16384xi32, #tpu.memory_space<hbm>> -> memref<16384xi32, #tpu.memory_space<hbm>>
    %dma_start3A_190 = tpu.memref_slice %dma_start3A_189[%mul3A_2] : memref<16384xi32, #tpu.memory_space<hbm>> -> memref<512xi32, #tpu.memory_space<hbm>>
    %dma_start3A_191 = arith.constant 7168 : i32
    %dma_start3A_192 = tpu.memref_slice %arg6[%dma_start3A_191] : memref<13312xi32, #tpu.memory_space<vmem>> -> memref<512xi32, #tpu.memory_space<vmem>>
    %dma_start3A_193 = arith.constant 0 : i32
    %dma_start3A_194 = tpu.memref_slice %arg2[%dma_start3A_184, %dma_start3A_193] : memref<26x16384xi32, #tpu.memory_space<hbm>> -> memref<1x16384xi32, #tpu.memory_space<hbm>>
    %dma_start3A_195 = tpu.memref_squeeze %dma_start3A_194 : memref<1x16384xi32, #tpu.memory_space<hbm>> -> memref<16384xi32, #tpu.memory_space<hbm>>
    %dma_start3A_196 = tpu.memref_slice %dma_start3A_195[%mul3A_2] : memref<16384xi32, #tpu.memory_space<hbm>> -> memref<512xi32, #tpu.memory_space<hbm>>
    tpu.enqueue_dma source(%dma_start3A_196 : memref<512xi32, #tpu.memory_space<hbm>>) target(%dma_start3A_192 : memref<512xi32, #tpu.memory_space<vmem>>) target_semaphore(%arg10 : memref<!tpu.dma_semaphore, #tpu.memory_space<semaphore_mem>>)
    %dma_start3A_197 = arith.constant 15 : i32
    %dma_start3A_198 = arith.constant 7680 : i32
    %dma_start3A_199 = tpu.memref_slice %arg6[%dma_start3A_198] : memref<13312xi32, #tpu.memory_space<vmem>> -> memref<512xi32, #tpu.memory_space<vmem>>
    %dma_start3A_200 = arith.constant 0 : i32
    %dma_start3A_201 = tpu.memref_slice %arg2[%dma_start3A_197, %dma_start3A_200] : memref<26x16384xi32, #tpu.memory_space<hbm>> -> memref<1x16384xi32, #tpu.memory_space<hbm>>
    %dma_start3A_202 = tpu.memref_squeeze %dma_start3A_201 : memref<1x16384xi32, #tpu.memory_space<hbm>> -> memref<16384xi32, #tpu.memory_space<hbm>>
    %dma_start3A_203 = tpu.memref_slice %dma_start3A_202[%mul3A_2] : memref<16384xi32, #tpu.memory_space<hbm>> -> memref<512xi32, #tpu.memory_space<hbm>>
    %dma_start3A_204 = arith.constant 7680 : i32
    %dma_start3A_205 = tpu.memref_slice %arg6[%dma_start3A_204] : memref<13312xi32, #tpu.memory_space<vmem>> -> memref<512xi32, #tpu.memory_space<vmem>>
    %dma_start3A_206 = arith.constant 0 : i32
    %dma_start3A_207 = tpu.memref_slice %arg2[%dma_start3A_197, %dma_start3A_206] : memref<26x16384xi32, #tpu.memory_space<hbm>> -> memref<1x16384xi32, #tpu.memory_space<hbm>>
    %dma_start3A_208 = tpu.memref_squeeze %dma_start3A_207 : memref<1x16384xi32, #tpu.memory_space<hbm>> -> memref<16384xi32, #tpu.memory_space<hbm>>
    %dma_start3A_209 = tpu.memref_slice %dma_start3A_208[%mul3A_2] : memref<16384xi32, #tpu.memory_space<hbm>> -> memref<512xi32, #tpu.memory_space<hbm>>
    tpu.enqueue_dma source(%dma_start3A_209 : memref<512xi32, #tpu.memory_space<hbm>>) target(%dma_start3A_205 : memref<512xi32, #tpu.memory_space<vmem>>) target_semaphore(%arg10 : memref<!tpu.dma_semaphore, #tpu.memory_space<semaphore_mem>>)
    %dma_start3A_210 = arith.constant 16 : i32
    %dma_start3A_211 = arith.constant 8192 : i32
    %dma_start3A_212 = tpu.memref_slice %arg6[%dma_start3A_211] : memref<13312xi32, #tpu.memory_space<vmem>> -> memref<512xi32, #tpu.memory_space<vmem>>
    %dma_start3A_213 = arith.constant 0 : i32
    %dma_start3A_214 = tpu.memref_slice %arg2[%dma_start3A_210, %dma_start3A_213] : memref<26x16384xi32, #tpu.memory_space<hbm>> -> memref<1x16384xi32, #tpu.memory_space<hbm>>
    %dma_start3A_215 = tpu.memref_squeeze %dma_start3A_214 : memref<1x16384xi32, #tpu.memory_space<hbm>> -> memref<16384xi32, #tpu.memory_space<hbm>>
    %dma_start3A_216 = tpu.memref_slice %dma_start3A_215[%mul3A_2] : memref<16384xi32, #tpu.memory_space<hbm>> -> memref<512xi32, #tpu.memory_space<hbm>>
    %dma_start3A_217 = arith.constant 8192 : i32
    %dma_start3A_218 = tpu.memref_slice %arg6[%dma_start3A_217] : memref<13312xi32, #tpu.memory_space<vmem>> -> memref<512xi32, #tpu.memory_space<vmem>>
    %dma_start3A_219 = arith.constant 0 : i32
    %dma_start3A_220 = tpu.memref_slice %arg2[%dma_start3A_210, %dma_start3A_219] : memref<26x16384xi32, #tpu.memory_space<hbm>> -> memref<1x16384xi32, #tpu.memory_space<hbm>>
    %dma_start3A_221 = tpu.memref_squeeze %dma_start3A_220 : memref<1x16384xi32, #tpu.memory_space<hbm>> -> memref<16384xi32, #tpu.memory_space<hbm>>
    %dma_start3A_222 = tpu.memref_slice %dma_start3A_221[%mul3A_2] : memref<16384xi32, #tpu.memory_space<hbm>> -> memref<512xi32, #tpu.memory_space<hbm>>
    tpu.enqueue_dma source(%dma_start3A_222 : memref<512xi32, #tpu.memory_space<hbm>>) target(%dma_start3A_218 : memref<512xi32, #tpu.memory_space<vmem>>) target_semaphore(%arg10 : memref<!tpu.dma_semaphore, #tpu.memory_space<semaphore_mem>>)
    %dma_start3A_223 = arith.constant 17 : i32
    %dma_start3A_224 = arith.constant 8704 : i32
    %dma_start3A_225 = tpu.memref_slice %arg6[%dma_start3A_224] : memref<13312xi32, #tpu.memory_space<vmem>> -> memref<512xi32, #tpu.memory_space<vmem>>
    %dma_start3A_226 = arith.constant 0 : i32
    %dma_start3A_227 = tpu.memref_slice %arg2[%dma_start3A_223, %dma_start3A_226] : memref<26x16384xi32, #tpu.memory_space<hbm>> -> memref<1x16384xi32, #tpu.memory_space<hbm>>
    %dma_start3A_228 = tpu.memref_squeeze %dma_start3A_227 : memref<1x16384xi32, #tpu.memory_space<hbm>> -> memref<16384xi32, #tpu.memory_space<hbm>>
    %dma_start3A_229 = tpu.memref_slice %dma_start3A_228[%mul3A_2] : memref<16384xi32, #tpu.memory_space<hbm>> -> memref<512xi32, #tpu.memory_space<hbm>>
    %dma_start3A_230 = arith.constant 8704 : i32
    %dma_start3A_231 = tpu.memref_slice %arg6[%dma_start3A_230] : memref<13312xi32, #tpu.memory_space<vmem>> -> memref<512xi32, #tpu.memory_space<vmem>>
    %dma_start3A_232 = arith.constant 0 : i32
    %dma_start3A_233 = tpu.memref_slice %arg2[%dma_start3A_223, %dma_start3A_232] : memref<26x16384xi32, #tpu.memory_space<hbm>> -> memref<1x16384xi32, #tpu.memory_space<hbm>>
    %dma_start3A_234 = tpu.memref_squeeze %dma_start3A_233 : memref<1x16384xi32, #tpu.memory_space<hbm>> -> memref<16384xi32, #tpu.memory_space<hbm>>
    %dma_start3A_235 = tpu.memref_slice %dma_start3A_234[%mul3A_2] : memref<16384xi32, #tpu.memory_space<hbm>> -> memref<512xi32, #tpu.memory_space<hbm>>
    tpu.enqueue_dma source(%dma_start3A_235 : memref<512xi32, #tpu.memory_space<hbm>>) target(%dma_start3A_231 : memref<512xi32, #tpu.memory_space<vmem>>) target_semaphore(%arg10 : memref<!tpu.dma_semaphore, #tpu.memory_space<semaphore_mem>>)
    %dma_start3A_236 = arith.constant 18 : i32
    %dma_start3A_237 = arith.constant 9216 : i32
    %dma_start3A_238 = tpu.memref_slice %arg6[%dma_start3A_237] : memref<13312xi32, #tpu.memory_space<vmem>> -> memref<512xi32, #tpu.memory_space<vmem>>
    %dma_start3A_239 = arith.constant 0 : i32
    %dma_start3A_240 = tpu.memref_slice %arg2[%dma_start3A_236, %dma_start3A_239] : memref<26x16384xi32, #tpu.memory_space<hbm>> -> memref<1x16384xi32, #tpu.memory_space<hbm>>
    %dma_start3A_241 = tpu.memref_squeeze %dma_start3A_240 : memref<1x16384xi32, #tpu.memory_space<hbm>> -> memref<16384xi32, #tpu.memory_space<hbm>>
    %dma_start3A_242 = tpu.memref_slice %dma_start3A_241[%mul3A_2] : memref<16384xi32, #tpu.memory_space<hbm>> -> memref<512xi32, #tpu.memory_space<hbm>>
    %dma_start3A_243 = arith.constant 9216 : i32
    %dma_start3A_244 = tpu.memref_slice %arg6[%dma_start3A_243] : memref<13312xi32, #tpu.memory_space<vmem>> -> memref<512xi32, #tpu.memory_space<vmem>>
    %dma_start3A_245 = arith.constant 0 : i32
    %dma_start3A_246 = tpu.memref_slice %arg2[%dma_start3A_236, %dma_start3A_245] : memref<26x16384xi32, #tpu.memory_space<hbm>> -> memref<1x16384xi32, #tpu.memory_space<hbm>>
    %dma_start3A_247 = tpu.memref_squeeze %dma_start3A_246 : memref<1x16384xi32, #tpu.memory_space<hbm>> -> memref<16384xi32, #tpu.memory_space<hbm>>
    %dma_start3A_248 = tpu.memref_slice %dma_start3A_247[%mul3A_2] : memref<16384xi32, #tpu.memory_space<hbm>> -> memref<512xi32, #tpu.memory_space<hbm>>
    tpu.enqueue_dma source(%dma_start3A_248 : memref<512xi32, #tpu.memory_space<hbm>>) target(%dma_start3A_244 : memref<512xi32, #tpu.memory_space<vmem>>) target_semaphore(%arg10 : memref<!tpu.dma_semaphore, #tpu.memory_space<semaphore_mem>>)
    %dma_start3A_249 = arith.constant 19 : i32
    %dma_start3A_250 = arith.constant 9728 : i32
    %dma_start3A_251 = tpu.memref_slice %arg6[%dma_start3A_250] : memref<13312xi32, #tpu.memory_space<vmem>> -> memref<512xi32, #tpu.memory_space<vmem>>
    %dma_start3A_252 = arith.constant 0 : i32
    %dma_start3A_253 = tpu.memref_slice %arg2[%dma_start3A_249, %dma_start3A_252] : memref<26x16384xi32, #tpu.memory_space<hbm>> -> memref<1x16384xi32, #tpu.memory_space<hbm>>
    %dma_start3A_254 = tpu.memref_squeeze %dma_start3A_253 : memref<1x16384xi32, #tpu.memory_space<hbm>> -> memref<16384xi32, #tpu.memory_space<hbm>>
    %dma_start3A_255 = tpu.memref_slice %dma_start3A_254[%mul3A_2] : memref<16384xi32, #tpu.memory_space<hbm>> -> memref<512xi32, #tpu.memory_space<hbm>>
    %dma_start3A_256 = arith.constant 9728 : i32
    %dma_start3A_257 = tpu.memref_slice %arg6[%dma_start3A_256] : memref<13312xi32, #tpu.memory_space<vmem>> -> memref<512xi32, #tpu.memory_space<vmem>>
    %dma_start3A_258 = arith.constant 0 : i32
    %dma_start3A_259 = tpu.memref_slice %arg2[%dma_start3A_249, %dma_start3A_258] : memref<26x16384xi32, #tpu.memory_space<hbm>> -> memref<1x16384xi32, #tpu.memory_space<hbm>>
    %dma_start3A_260 = tpu.memref_squeeze %dma_start3A_259 : memref<1x16384xi32, #tpu.memory_space<hbm>> -> memref<16384xi32, #tpu.memory_space<hbm>>
    %dma_start3A_261 = tpu.memref_slice %dma_start3A_260[%mul3A_2] : memref<16384xi32, #tpu.memory_space<hbm>> -> memref<512xi32, #tpu.memory_space<hbm>>
    tpu.enqueue_dma source(%dma_start3A_261 : memref<512xi32, #tpu.memory_space<hbm>>) target(%dma_start3A_257 : memref<512xi32, #tpu.memory_space<vmem>>) target_semaphore(%arg10 : memref<!tpu.dma_semaphore, #tpu.memory_space<semaphore_mem>>)
    %dma_start3A_262 = arith.constant 20 : i32
    %dma_start3A_263 = arith.constant 10240 : i32
    %dma_start3A_264 = tpu.memref_slice %arg6[%dma_start3A_263] : memref<13312xi32, #tpu.memory_space<vmem>> -> memref<512xi32, #tpu.memory_space<vmem>>
    %dma_start3A_265 = arith.constant 0 : i32
    %dma_start3A_266 = tpu.memref_slice %arg2[%dma_start3A_262, %dma_start3A_265] : memref<26x16384xi32, #tpu.memory_space<hbm>> -> memref<1x16384xi32, #tpu.memory_space<hbm>>
    %dma_start3A_267 = tpu.memref_squeeze %dma_start3A_266 : memref<1x16384xi32, #tpu.memory_space<hbm>> -> memref<16384xi32, #tpu.memory_space<hbm>>
    %dma_start3A_268 = tpu.memref_slice %dma_start3A_267[%mul3A_2] : memref<16384xi32, #tpu.memory_space<hbm>> -> memref<512xi32, #tpu.memory_space<hbm>>
    %dma_start3A_269 = arith.constant 10240 : i32
    %dma_start3A_270 = tpu.memref_slice %arg6[%dma_start3A_269] : memref<13312xi32, #tpu.memory_space<vmem>> -> memref<512xi32, #tpu.memory_space<vmem>>
    %dma_start3A_271 = arith.constant 0 : i32
    %dma_start3A_272 = tpu.memref_slice %arg2[%dma_start3A_262, %dma_start3A_271] : memref<26x16384xi32, #tpu.memory_space<hbm>> -> memref<1x16384xi32, #tpu.memory_space<hbm>>
    %dma_start3A_273 = tpu.memref_squeeze %dma_start3A_272 : memref<1x16384xi32, #tpu.memory_space<hbm>> -> memref<16384xi32, #tpu.memory_space<hbm>>
    %dma_start3A_274 = tpu.memref_slice %dma_start3A_273[%mul3A_2] : memref<16384xi32, #tpu.memory_space<hbm>> -> memref<512xi32, #tpu.memory_space<hbm>>
    tpu.enqueue_dma source(%dma_start3A_274 : memref<512xi32, #tpu.memory_space<hbm>>) target(%dma_start3A_270 : memref<512xi32, #tpu.memory_space<vmem>>) target_semaphore(%arg10 : memref<!tpu.dma_semaphore, #tpu.memory_space<semaphore_mem>>)
    %dma_start3A_275 = arith.constant 21 : i32
    %dma_start3A_276 = arith.constant 10752 : i32
    %dma_start3A_277 = tpu.memref_slice %arg6[%dma_start3A_276] : memref<13312xi32, #tpu.memory_space<vmem>> -> memref<512xi32, #tpu.memory_space<vmem>>
    %dma_start3A_278 = arith.constant 0 : i32
    %dma_start3A_279 = tpu.memref_slice %arg2[%dma_start3A_275, %dma_start3A_278] : memref<26x16384xi32, #tpu.memory_space<hbm>> -> memref<1x16384xi32, #tpu.memory_space<hbm>>
    %dma_start3A_280 = tpu.memref_squeeze %dma_start3A_279 : memref<1x16384xi32, #tpu.memory_space<hbm>> -> memref<16384xi32, #tpu.memory_space<hbm>>
    %dma_start3A_281 = tpu.memref_slice %dma_start3A_280[%mul3A_2] : memref<16384xi32, #tpu.memory_space<hbm>> -> memref<512xi32, #tpu.memory_space<hbm>>
    %dma_start3A_282 = arith.constant 10752 : i32
    %dma_start3A_283 = tpu.memref_slice %arg6[%dma_start3A_282] : memref<13312xi32, #tpu.memory_space<vmem>> -> memref<512xi32, #tpu.memory_space<vmem>>
    %dma_start3A_284 = arith.constant 0 : i32
    %dma_start3A_285 = tpu.memref_slice %arg2[%dma_start3A_275, %dma_start3A_284] : memref<26x16384xi32, #tpu.memory_space<hbm>> -> memref<1x16384xi32, #tpu.memory_space<hbm>>
    %dma_start3A_286 = tpu.memref_squeeze %dma_start3A_285 : memref<1x16384xi32, #tpu.memory_space<hbm>> -> memref<16384xi32, #tpu.memory_space<hbm>>
    %dma_start3A_287 = tpu.memref_slice %dma_start3A_286[%mul3A_2] : memref<16384xi32, #tpu.memory_space<hbm>> -> memref<512xi32, #tpu.memory_space<hbm>>
    tpu.enqueue_dma source(%dma_start3A_287 : memref<512xi32, #tpu.memory_space<hbm>>) target(%dma_start3A_283 : memref<512xi32, #tpu.memory_space<vmem>>) target_semaphore(%arg10 : memref<!tpu.dma_semaphore, #tpu.memory_space<semaphore_mem>>)
    %dma_start3A_288 = arith.constant 22 : i32
    %dma_start3A_289 = arith.constant 11264 : i32
    %dma_start3A_290 = tpu.memref_slice %arg6[%dma_start3A_289] : memref<13312xi32, #tpu.memory_space<vmem>> -> memref<512xi32, #tpu.memory_space<vmem>>
    %dma_start3A_291 = arith.constant 0 : i32
    %dma_start3A_292 = tpu.memref_slice %arg2[%dma_start3A_288, %dma_start3A_291] : memref<26x16384xi32, #tpu.memory_space<hbm>> -> memref<1x16384xi32, #tpu.memory_space<hbm>>
    %dma_start3A_293 = tpu.memref_squeeze %dma_start3A_292 : memref<1x16384xi32, #tpu.memory_space<hbm>> -> memref<16384xi32, #tpu.memory_space<hbm>>
    %dma_start3A_294 = tpu.memref_slice %dma_start3A_293[%mul3A_2] : memref<16384xi32, #tpu.memory_space<hbm>> -> memref<512xi32, #tpu.memory_space<hbm>>
    %dma_start3A_295 = arith.constant 11264 : i32
    %dma_start3A_296 = tpu.memref_slice %arg6[%dma_start3A_295] : memref<13312xi32, #tpu.memory_space<vmem>> -> memref<512xi32, #tpu.memory_space<vmem>>
    %dma_start3A_297 = arith.constant 0 : i32
    %dma_start3A_298 = tpu.memref_slice %arg2[%dma_start3A_288, %dma_start3A_297] : memref<26x16384xi32, #tpu.memory_space<hbm>> -> memref<1x16384xi32, #tpu.memory_space<hbm>>
    %dma_start3A_299 = tpu.memref_squeeze %dma_start3A_298 : memref<1x16384xi32, #tpu.memory_space<hbm>> -> memref<16384xi32, #tpu.memory_space<hbm>>
    %dma_start3A_300 = tpu.memref_slice %dma_start3A_299[%mul3A_2] : memref<16384xi32, #tpu.memory_space<hbm>> -> memref<512xi32, #tpu.memory_space<hbm>>
    tpu.enqueue_dma source(%dma_start3A_300 : memref<512xi32, #tpu.memory_space<hbm>>) target(%dma_start3A_296 : memref<512xi32, #tpu.memory_space<vmem>>) target_semaphore(%arg10 : memref<!tpu.dma_semaphore, #tpu.memory_space<semaphore_mem>>)
    %dma_start3A_301 = arith.constant 23 : i32
    %dma_start3A_302 = arith.constant 11776 : i32
    %dma_start3A_303 = tpu.memref_slice %arg6[%dma_start3A_302] : memref<13312xi32, #tpu.memory_space<vmem>> -> memref<512xi32, #tpu.memory_space<vmem>>
    %dma_start3A_304 = arith.constant 0 : i32
    %dma_start3A_305 = tpu.memref_slice %arg2[%dma_start3A_301, %dma_start3A_304] : memref<26x16384xi32, #tpu.memory_space<hbm>> -> memref<1x16384xi32, #tpu.memory_space<hbm>>
    %dma_start3A_306 = tpu.memref_squeeze %dma_start3A_305 : memref<1x16384xi32, #tpu.memory_space<hbm>> -> memref<16384xi32, #tpu.memory_space<hbm>>
    %dma_start3A_307 = tpu.memref_slice %dma_start3A_306[%mul3A_2] : memref<16384xi32, #tpu.memory_space<hbm>> -> memref<512xi32, #tpu.memory_space<hbm>>
    %dma_start3A_308 = arith.constant 11776 : i32
    %dma_start3A_309 = tpu.memref_slice %arg6[%dma_start3A_308] : memref<13312xi32, #tpu.memory_space<vmem>> -> memref<512xi32, #tpu.memory_space<vmem>>
    %dma_start3A_310 = arith.constant 0 : i32
    %dma_start3A_311 = tpu.memref_slice %arg2[%dma_start3A_301, %dma_start3A_310] : memref<26x16384xi32, #tpu.memory_space<hbm>> -> memref<1x16384xi32, #tpu.memory_space<hbm>>
    %dma_start3A_312 = tpu.memref_squeeze %dma_start3A_311 : memref<1x16384xi32, #tpu.memory_space<hbm>> -> memref<16384xi32, #tpu.memory_space<hbm>>
    %dma_start3A_313 = tpu.memref_slice %dma_start3A_312[%mul3A_2] : memref<16384xi32, #tpu.memory_space<hbm>> -> memref<512xi32, #tpu.memory_space<hbm>>
    tpu.enqueue_dma source(%dma_start3A_313 : memref<512xi32, #tpu.memory_space<hbm>>) target(%dma_start3A_309 : memref<512xi32, #tpu.memory_space<vmem>>) target_semaphore(%arg10 : memref<!tpu.dma_semaphore, #tpu.memory_space<semaphore_mem>>)
    %dma_start3A_314 = arith.constant 24 : i32
    %dma_start3A_315 = arith.constant 12288 : i32
    %dma_start3A_316 = tpu.memref_slice %arg6[%dma_start3A_315] : memref<13312xi32, #tpu.memory_space<vmem>> -> memref<512xi32, #tpu.memory_space<vmem>>
    %dma_start3A_317 = arith.constant 0 : i32
    %dma_start3A_318 = tpu.memref_slice %arg2[%dma_start3A_314, %dma_start3A_317] : memref<26x16384xi32, #tpu.memory_space<hbm>> -> memref<1x16384xi32, #tpu.memory_space<hbm>>
    %dma_start3A_319 = tpu.memref_squeeze %dma_start3A_318 : memref<1x16384xi32, #tpu.memory_space<hbm>> -> memref<16384xi32, #tpu.memory_space<hbm>>
    %dma_start3A_320 = tpu.memref_slice %dma_start3A_319[%mul3A_2] : memref<16384xi32, #tpu.memory_space<hbm>> -> memref<512xi32, #tpu.memory_space<hbm>>
    %dma_start3A_321 = arith.constant 12288 : i32
    %dma_start3A_322 = tpu.memref_slice %arg6[%dma_start3A_321] : memref<13312xi32, #tpu.memory_space<vmem>> -> memref<512xi32, #tpu.memory_space<vmem>>
    %dma_start3A_323 = arith.constant 0 : i32
    %dma_start3A_324 = tpu.memref_slice %arg2[%dma_start3A_314, %dma_start3A_323] : memref<26x16384xi32, #tpu.memory_space<hbm>> -> memref<1x16384xi32, #tpu.memory_space<hbm>>
    %dma_start3A_325 = tpu.memref_squeeze %dma_start3A_324 : memref<1x16384xi32, #tpu.memory_space<hbm>> -> memref<16384xi32, #tpu.memory_space<hbm>>
    %dma_start3A_326 = tpu.memref_slice %dma_start3A_325[%mul3A_2] : memref<16384xi32, #tpu.memory_space<hbm>> -> memref<512xi32, #tpu.memory_space<hbm>>
    tpu.enqueue_dma source(%dma_start3A_326 : memref<512xi32, #tpu.memory_space<hbm>>) target(%dma_start3A_322 : memref<512xi32, #tpu.memory_space<vmem>>) target_semaphore(%arg10 : memref<!tpu.dma_semaphore, #tpu.memory_space<semaphore_mem>>)
    %dma_start3A_327 = arith.constant 25 : i32
    %dma_start3A_328 = arith.constant 12800 : i32
    %dma_start3A_329 = tpu.memref_slice %arg6[%dma_start3A_328] : memref<13312xi32, #tpu.memory_space<vmem>> -> memref<512xi32, #tpu.memory_space<vmem>>
    %dma_start3A_330 = arith.constant 0 : i32
    %dma_start3A_331 = tpu.memref_slice %arg2[%dma_start3A_327, %dma_start3A_330] : memref<26x16384xi32, #tpu.memory_space<hbm>> -> memref<1x16384xi32, #tpu.memory_space<hbm>>
    %dma_start3A_332 = tpu.memref_squeeze %dma_start3A_331 : memref<1x16384xi32, #tpu.memory_space<hbm>> -> memref<16384xi32, #tpu.memory_space<hbm>>
    %dma_start3A_333 = tpu.memref_slice %dma_start3A_332[%mul3A_2] : memref<16384xi32, #tpu.memory_space<hbm>> -> memref<512xi32, #tpu.memory_space<hbm>>
    %dma_start3A_334 = arith.constant 12800 : i32
    %dma_start3A_335 = tpu.memref_slice %arg6[%dma_start3A_334] : memref<13312xi32, #tpu.memory_space<vmem>> -> memref<512xi32, #tpu.memory_space<vmem>>
    %dma_start3A_336 = arith.constant 0 : i32
    %dma_start3A_337 = tpu.memref_slice %arg2[%dma_start3A_327, %dma_start3A_336] : memref<26x16384xi32, #tpu.memory_space<hbm>> -> memref<1x16384xi32, #tpu.memory_space<hbm>>
    %dma_start3A_338 = tpu.memref_squeeze %dma_start3A_337 : memref<1x16384xi32, #tpu.memory_space<hbm>> -> memref<16384xi32, #tpu.memory_space<hbm>>
    %dma_start3A_339 = tpu.memref_slice %dma_start3A_338[%mul3A_2] : memref<16384xi32, #tpu.memory_space<hbm>> -> memref<512xi32, #tpu.memory_space<hbm>>
    tpu.enqueue_dma source(%dma_start3A_339 : memref<512xi32, #tpu.memory_space<hbm>>) target(%dma_start3A_335 : memref<512xi32, #tpu.memory_space<vmem>>) target_semaphore(%arg10 : memref<!tpu.dma_semaphore, #tpu.memory_space<semaphore_mem>>)
    %dma_start3A_340 = tpu.memref_slice %arg4[%mul3A_2] : memref<16384xf32, #tpu.memory_space<hbm>> -> memref<512xf32, #tpu.memory_space<hbm>>
    %dma_start3A_341 = tpu.memref_slice %arg4[%mul3A_2] : memref<16384xf32, #tpu.memory_space<hbm>> -> memref<512xf32, #tpu.memory_space<hbm>>
    tpu.enqueue_dma source(%dma_start3A_341 : memref<512xf32, #tpu.memory_space<hbm>>) target(%arg8 : memref<512xf32, #tpu.memory_space<vmem>>) target_semaphore(%arg10 : memref<!tpu.dma_semaphore, #tpu.memory_space<semaphore_mem>>)
    %dma_wait3A = arith.constant 0 : i32
    %dma_wait3A_342 = arith.constant 0 : i32
    %dma_wait3A_343 = tpu.memref_slice %arg6[%dma_wait3A_342] : memref<13312xi32, #tpu.memory_space<vmem>> -> memref<512xi32, #tpu.memory_space<vmem>>
    %dma_wait3A_344 = arith.constant 0 : i32
    %dma_wait3A_345 = tpu.memref_slice %arg2[%dma_wait3A, %dma_wait3A_344] : memref<26x16384xi32, #tpu.memory_space<hbm>> -> memref<1x16384xi32, #tpu.memory_space<hbm>>
    %dma_wait3A_346 = tpu.memref_squeeze %dma_wait3A_345 : memref<1x16384xi32, #tpu.memory_space<hbm>> -> memref<16384xi32, #tpu.memory_space<hbm>>
    %dma_wait3A_347 = tpu.memref_slice %dma_wait3A_346[%mul3A_2] : memref<16384xi32, #tpu.memory_space<hbm>> -> memref<512xi32, #tpu.memory_space<hbm>>
    %dma_wait3A_348 = arith.constant 0 : i32
    %dma_wait3A_349 = tpu.memref_slice %arg6[%dma_wait3A_348] : memref<13312xi32, #tpu.memory_space<vmem>> -> memref<512xi32, #tpu.memory_space<vmem>>
    %dma_wait3A_350 = arith.constant 0 : i32
    %dma_wait3A_351 = tpu.memref_slice %arg2[%dma_wait3A, %dma_wait3A_350] : memref<26x16384xi32, #tpu.memory_space<hbm>> -> memref<1x16384xi32, #tpu.memory_space<hbm>>
    %dma_wait3A_352 = tpu.memref_squeeze %dma_wait3A_351 : memref<1x16384xi32, #tpu.memory_space<hbm>> -> memref<16384xi32, #tpu.memory_space<hbm>>
    %dma_wait3A_353 = tpu.memref_slice %dma_wait3A_352[%mul3A_2] : memref<16384xi32, #tpu.memory_space<hbm>> -> memref<512xi32, #tpu.memory_space<hbm>>
    tpu.wait_dma2 semaphore(%arg10 : memref<!tpu.dma_semaphore, #tpu.memory_space<semaphore_mem>>) src(%dma_wait3A_353 : memref<512xi32, #tpu.memory_space<hbm>>) dst(%dma_wait3A_349 : memref<512xi32, #tpu.memory_space<vmem>>)
    %dma_wait3A_354 = arith.constant 1 : i32
    %dma_wait3A_355 = arith.constant 512 : i32
    %dma_wait3A_356 = tpu.memref_slice %arg6[%dma_wait3A_355] : memref<13312xi32, #tpu.memory_space<vmem>> -> memref<512xi32, #tpu.memory_space<vmem>>
    %dma_wait3A_357 = arith.constant 0 : i32
    %dma_wait3A_358 = tpu.memref_slice %arg2[%dma_wait3A_354, %dma_wait3A_357] : memref<26x16384xi32, #tpu.memory_space<hbm>> -> memref<1x16384xi32, #tpu.memory_space<hbm>>
    %dma_wait3A_359 = tpu.memref_squeeze %dma_wait3A_358 : memref<1x16384xi32, #tpu.memory_space<hbm>> -> memref<16384xi32, #tpu.memory_space<hbm>>
    %dma_wait3A_360 = tpu.memref_slice %dma_wait3A_359[%mul3A_2] : memref<16384xi32, #tpu.memory_space<hbm>> -> memref<512xi32, #tpu.memory_space<hbm>>
    %dma_wait3A_361 = arith.constant 512 : i32
    %dma_wait3A_362 = tpu.memref_slice %arg6[%dma_wait3A_361] : memref<13312xi32, #tpu.memory_space<vmem>> -> memref<512xi32, #tpu.memory_space<vmem>>
    %dma_wait3A_363 = arith.constant 0 : i32
    %dma_wait3A_364 = tpu.memref_slice %arg2[%dma_wait3A_354, %dma_wait3A_363] : memref<26x16384xi32, #tpu.memory_space<hbm>> -> memref<1x16384xi32, #tpu.memory_space<hbm>>
    %dma_wait3A_365 = tpu.memref_squeeze %dma_wait3A_364 : memref<1x16384xi32, #tpu.memory_space<hbm>> -> memref<16384xi32, #tpu.memory_space<hbm>>
    %dma_wait3A_366 = tpu.memref_slice %dma_wait3A_365[%mul3A_2] : memref<16384xi32, #tpu.memory_space<hbm>> -> memref<512xi32, #tpu.memory_space<hbm>>
    tpu.wait_dma2 semaphore(%arg10 : memref<!tpu.dma_semaphore, #tpu.memory_space<semaphore_mem>>) src(%dma_wait3A_366 : memref<512xi32, #tpu.memory_space<hbm>>) dst(%dma_wait3A_362 : memref<512xi32, #tpu.memory_space<vmem>>)
    %dma_wait3A_367 = arith.constant 2 : i32
    %dma_wait3A_368 = arith.constant 1024 : i32
    %dma_wait3A_369 = tpu.memref_slice %arg6[%dma_wait3A_368] : memref<13312xi32, #tpu.memory_space<vmem>> -> memref<512xi32, #tpu.memory_space<vmem>>
    %dma_wait3A_370 = arith.constant 0 : i32
    %dma_wait3A_371 = tpu.memref_slice %arg2[%dma_wait3A_367, %dma_wait3A_370] : memref<26x16384xi32, #tpu.memory_space<hbm>> -> memref<1x16384xi32, #tpu.memory_space<hbm>>
    %dma_wait3A_372 = tpu.memref_squeeze %dma_wait3A_371 : memref<1x16384xi32, #tpu.memory_space<hbm>> -> memref<16384xi32, #tpu.memory_space<hbm>>
    %dma_wait3A_373 = tpu.memref_slice %dma_wait3A_372[%mul3A_2] : memref<16384xi32, #tpu.memory_space<hbm>> -> memref<512xi32, #tpu.memory_space<hbm>>
    %dma_wait3A_374 = arith.constant 1024 : i32
    %dma_wait3A_375 = tpu.memref_slice %arg6[%dma_wait3A_374] : memref<13312xi32, #tpu.memory_space<vmem>> -> memref<512xi32, #tpu.memory_space<vmem>>
    %dma_wait3A_376 = arith.constant 0 : i32
    %dma_wait3A_377 = tpu.memref_slice %arg2[%dma_wait3A_367, %dma_wait3A_376] : memref<26x16384xi32, #tpu.memory_space<hbm>> -> memref<1x16384xi32, #tpu.memory_space<hbm>>
    %dma_wait3A_378 = tpu.memref_squeeze %dma_wait3A_377 : memref<1x16384xi32, #tpu.memory_space<hbm>> -> memref<16384xi32, #tpu.memory_space<hbm>>
    %dma_wait3A_379 = tpu.memref_slice %dma_wait3A_378[%mul3A_2] : memref<16384xi32, #tpu.memory_space<hbm>> -> memref<512xi32, #tpu.memory_space<hbm>>
    tpu.wait_dma2 semaphore(%arg10 : memref<!tpu.dma_semaphore, #tpu.memory_space<semaphore_mem>>) src(%dma_wait3A_379 : memref<512xi32, #tpu.memory_space<hbm>>) dst(%dma_wait3A_375 : memref<512xi32, #tpu.memory_space<vmem>>)
    %dma_wait3A_380 = arith.constant 3 : i32
    %dma_wait3A_381 = arith.constant 1536 : i32
    %dma_wait3A_382 = tpu.memref_slice %arg6[%dma_wait3A_381] : memref<13312xi32, #tpu.memory_space<vmem>> -> memref<512xi32, #tpu.memory_space<vmem>>
    %dma_wait3A_383 = arith.constant 0 : i32
    %dma_wait3A_384 = tpu.memref_slice %arg2[%dma_wait3A_380, %dma_wait3A_383] : memref<26x16384xi32, #tpu.memory_space<hbm>> -> memref<1x16384xi32, #tpu.memory_space<hbm>>
    %dma_wait3A_385 = tpu.memref_squeeze %dma_wait3A_384 : memref<1x16384xi32, #tpu.memory_space<hbm>> -> memref<16384xi32, #tpu.memory_space<hbm>>
    %dma_wait3A_386 = tpu.memref_slice %dma_wait3A_385[%mul3A_2] : memref<16384xi32, #tpu.memory_space<hbm>> -> memref<512xi32, #tpu.memory_space<hbm>>
    %dma_wait3A_387 = arith.constant 1536 : i32
    %dma_wait3A_388 = tpu.memref_slice %arg6[%dma_wait3A_387] : memref<13312xi32, #tpu.memory_space<vmem>> -> memref<512xi32, #tpu.memory_space<vmem>>
    %dma_wait3A_389 = arith.constant 0 : i32
    %dma_wait3A_390 = tpu.memref_slice %arg2[%dma_wait3A_380, %dma_wait3A_389] : memref<26x16384xi32, #tpu.memory_space<hbm>> -> memref<1x16384xi32, #tpu.memory_space<hbm>>
    %dma_wait3A_391 = tpu.memref_squeeze %dma_wait3A_390 : memref<1x16384xi32, #tpu.memory_space<hbm>> -> memref<16384xi32, #tpu.memory_space<hbm>>
    %dma_wait3A_392 = tpu.memref_slice %dma_wait3A_391[%mul3A_2] : memref<16384xi32, #tpu.memory_space<hbm>> -> memref<512xi32, #tpu.memory_space<hbm>>
    tpu.wait_dma2 semaphore(%arg10 : memref<!tpu.dma_semaphore, #tpu.memory_space<semaphore_mem>>) src(%dma_wait3A_392 : memref<512xi32, #tpu.memory_space<hbm>>) dst(%dma_wait3A_388 : memref<512xi32, #tpu.memory_space<vmem>>)
    %dma_wait3A_393 = arith.constant 4 : i32
    %dma_wait3A_394 = arith.constant 2048 : i32
    %dma_wait3A_395 = tpu.memref_slice %arg6[%dma_wait3A_394] : memref<13312xi32, #tpu.memory_space<vmem>> -> memref<512xi32, #tpu.memory_space<vmem>>
    %dma_wait3A_396 = arith.constant 0 : i32
    %dma_wait3A_397 = tpu.memref_slice %arg2[%dma_wait3A_393, %dma_wait3A_396] : memref<26x16384xi32, #tpu.memory_space<hbm>> -> memref<1x16384xi32, #tpu.memory_space<hbm>>
    %dma_wait3A_398 = tpu.memref_squeeze %dma_wait3A_397 : memref<1x16384xi32, #tpu.memory_space<hbm>> -> memref<16384xi32, #tpu.memory_space<hbm>>
    %dma_wait3A_399 = tpu.memref_slice %dma_wait3A_398[%mul3A_2] : memref<16384xi32, #tpu.memory_space<hbm>> -> memref<512xi32, #tpu.memory_space<hbm>>
    %dma_wait3A_400 = arith.constant 2048 : i32
    %dma_wait3A_401 = tpu.memref_slice %arg6[%dma_wait3A_400] : memref<13312xi32, #tpu.memory_space<vmem>> -> memref<512xi32, #tpu.memory_space<vmem>>
    %dma_wait3A_402 = arith.constant 0 : i32
    %dma_wait3A_403 = tpu.memref_slice %arg2[%dma_wait3A_393, %dma_wait3A_402] : memref<26x16384xi32, #tpu.memory_space<hbm>> -> memref<1x16384xi32, #tpu.memory_space<hbm>>
    %dma_wait3A_404 = tpu.memref_squeeze %dma_wait3A_403 : memref<1x16384xi32, #tpu.memory_space<hbm>> -> memref<16384xi32, #tpu.memory_space<hbm>>
    %dma_wait3A_405 = tpu.memref_slice %dma_wait3A_404[%mul3A_2] : memref<16384xi32, #tpu.memory_space<hbm>> -> memref<512xi32, #tpu.memory_space<hbm>>
    tpu.wait_dma2 semaphore(%arg10 : memref<!tpu.dma_semaphore, #tpu.memory_space<semaphore_mem>>) src(%dma_wait3A_405 : memref<512xi32, #tpu.memory_space<hbm>>) dst(%dma_wait3A_401 : memref<512xi32, #tpu.memory_space<vmem>>)
    %dma_wait3A_406 = arith.constant 5 : i32
    %dma_wait3A_407 = arith.constant 2560 : i32
    %dma_wait3A_408 = tpu.memref_slice %arg6[%dma_wait3A_407] : memref<13312xi32, #tpu.memory_space<vmem>> -> memref<512xi32, #tpu.memory_space<vmem>>
    %dma_wait3A_409 = arith.constant 0 : i32
    %dma_wait3A_410 = tpu.memref_slice %arg2[%dma_wait3A_406, %dma_wait3A_409] : memref<26x16384xi32, #tpu.memory_space<hbm>> -> memref<1x16384xi32, #tpu.memory_space<hbm>>
    %dma_wait3A_411 = tpu.memref_squeeze %dma_wait3A_410 : memref<1x16384xi32, #tpu.memory_space<hbm>> -> memref<16384xi32, #tpu.memory_space<hbm>>
    %dma_wait3A_412 = tpu.memref_slice %dma_wait3A_411[%mul3A_2] : memref<16384xi32, #tpu.memory_space<hbm>> -> memref<512xi32, #tpu.memory_space<hbm>>
    %dma_wait3A_413 = arith.constant 2560 : i32
    %dma_wait3A_414 = tpu.memref_slice %arg6[%dma_wait3A_413] : memref<13312xi32, #tpu.memory_space<vmem>> -> memref<512xi32, #tpu.memory_space<vmem>>
    %dma_wait3A_415 = arith.constant 0 : i32
    %dma_wait3A_416 = tpu.memref_slice %arg2[%dma_wait3A_406, %dma_wait3A_415] : memref<26x16384xi32, #tpu.memory_space<hbm>> -> memref<1x16384xi32, #tpu.memory_space<hbm>>
    %dma_wait3A_417 = tpu.memref_squeeze %dma_wait3A_416 : memref<1x16384xi32, #tpu.memory_space<hbm>> -> memref<16384xi32, #tpu.memory_space<hbm>>
    %dma_wait3A_418 = tpu.memref_slice %dma_wait3A_417[%mul3A_2] : memref<16384xi32, #tpu.memory_space<hbm>> -> memref<512xi32, #tpu.memory_space<hbm>>
    tpu.wait_dma2 semaphore(%arg10 : memref<!tpu.dma_semaphore, #tpu.memory_space<semaphore_mem>>) src(%dma_wait3A_418 : memref<512xi32, #tpu.memory_space<hbm>>) dst(%dma_wait3A_414 : memref<512xi32, #tpu.memory_space<vmem>>)
    %dma_wait3A_419 = arith.constant 6 : i32
    %dma_wait3A_420 = arith.constant 3072 : i32
    %dma_wait3A_421 = tpu.memref_slice %arg6[%dma_wait3A_420] : memref<13312xi32, #tpu.memory_space<vmem>> -> memref<512xi32, #tpu.memory_space<vmem>>
    %dma_wait3A_422 = arith.constant 0 : i32
    %dma_wait3A_423 = tpu.memref_slice %arg2[%dma_wait3A_419, %dma_wait3A_422] : memref<26x16384xi32, #tpu.memory_space<hbm>> -> memref<1x16384xi32, #tpu.memory_space<hbm>>
    %dma_wait3A_424 = tpu.memref_squeeze %dma_wait3A_423 : memref<1x16384xi32, #tpu.memory_space<hbm>> -> memref<16384xi32, #tpu.memory_space<hbm>>
    %dma_wait3A_425 = tpu.memref_slice %dma_wait3A_424[%mul3A_2] : memref<16384xi32, #tpu.memory_space<hbm>> -> memref<512xi32, #tpu.memory_space<hbm>>
    %dma_wait3A_426 = arith.constant 3072 : i32
    %dma_wait3A_427 = tpu.memref_slice %arg6[%dma_wait3A_426] : memref<13312xi32, #tpu.memory_space<vmem>> -> memref<512xi32, #tpu.memory_space<vmem>>
    %dma_wait3A_428 = arith.constant 0 : i32
    %dma_wait3A_429 = tpu.memref_slice %arg2[%dma_wait3A_419, %dma_wait3A_428] : memref<26x16384xi32, #tpu.memory_space<hbm>> -> memref<1x16384xi32, #tpu.memory_space<hbm>>
    %dma_wait3A_430 = tpu.memref_squeeze %dma_wait3A_429 : memref<1x16384xi32, #tpu.memory_space<hbm>> -> memref<16384xi32, #tpu.memory_space<hbm>>
    %dma_wait3A_431 = tpu.memref_slice %dma_wait3A_430[%mul3A_2] : memref<16384xi32, #tpu.memory_space<hbm>> -> memref<512xi32, #tpu.memory_space<hbm>>
    tpu.wait_dma2 semaphore(%arg10 : memref<!tpu.dma_semaphore, #tpu.memory_space<semaphore_mem>>) src(%dma_wait3A_431 : memref<512xi32, #tpu.memory_space<hbm>>) dst(%dma_wait3A_427 : memref<512xi32, #tpu.memory_space<vmem>>)
    %dma_wait3A_432 = arith.constant 7 : i32
    %dma_wait3A_433 = arith.constant 3584 : i32
    %dma_wait3A_434 = tpu.memref_slice %arg6[%dma_wait3A_433] : memref<13312xi32, #tpu.memory_space<vmem>> -> memref<512xi32, #tpu.memory_space<vmem>>
    %dma_wait3A_435 = arith.constant 0 : i32
    %dma_wait3A_436 = tpu.memref_slice %arg2[%dma_wait3A_432, %dma_wait3A_435] : memref<26x16384xi32, #tpu.memory_space<hbm>> -> memref<1x16384xi32, #tpu.memory_space<hbm>>
    %dma_wait3A_437 = tpu.memref_squeeze %dma_wait3A_436 : memref<1x16384xi32, #tpu.memory_space<hbm>> -> memref<16384xi32, #tpu.memory_space<hbm>>
    %dma_wait3A_438 = tpu.memref_slice %dma_wait3A_437[%mul3A_2] : memref<16384xi32, #tpu.memory_space<hbm>> -> memref<512xi32, #tpu.memory_space<hbm>>
    %dma_wait3A_439 = arith.constant 3584 : i32
    %dma_wait3A_440 = tpu.memref_slice %arg6[%dma_wait3A_439] : memref<13312xi32, #tpu.memory_space<vmem>> -> memref<512xi32, #tpu.memory_space<vmem>>
    %dma_wait3A_441 = arith.constant 0 : i32
    %dma_wait3A_442 = tpu.memref_slice %arg2[%dma_wait3A_432, %dma_wait3A_441] : memref<26x16384xi32, #tpu.memory_space<hbm>> -> memref<1x16384xi32, #tpu.memory_space<hbm>>
    %dma_wait3A_443 = tpu.memref_squeeze %dma_wait3A_442 : memref<1x16384xi32, #tpu.memory_space<hbm>> -> memref<16384xi32, #tpu.memory_space<hbm>>
    %dma_wait3A_444 = tpu.memref_slice %dma_wait3A_443[%mul3A_2] : memref<16384xi32, #tpu.memory_space<hbm>> -> memref<512xi32, #tpu.memory_space<hbm>>
    tpu.wait_dma2 semaphore(%arg10 : memref<!tpu.dma_semaphore, #tpu.memory_space<semaphore_mem>>) src(%dma_wait3A_444 : memref<512xi32, #tpu.memory_space<hbm>>) dst(%dma_wait3A_440 : memref<512xi32, #tpu.memory_space<vmem>>)
    %dma_wait3A_445 = arith.constant 8 : i32
    %dma_wait3A_446 = arith.constant 4096 : i32
    %dma_wait3A_447 = tpu.memref_slice %arg6[%dma_wait3A_446] : memref<13312xi32, #tpu.memory_space<vmem>> -> memref<512xi32, #tpu.memory_space<vmem>>
    %dma_wait3A_448 = arith.constant 0 : i32
    %dma_wait3A_449 = tpu.memref_slice %arg2[%dma_wait3A_445, %dma_wait3A_448] : memref<26x16384xi32, #tpu.memory_space<hbm>> -> memref<1x16384xi32, #tpu.memory_space<hbm>>
    %dma_wait3A_450 = tpu.memref_squeeze %dma_wait3A_449 : memref<1x16384xi32, #tpu.memory_space<hbm>> -> memref<16384xi32, #tpu.memory_space<hbm>>
    %dma_wait3A_451 = tpu.memref_slice %dma_wait3A_450[%mul3A_2] : memref<16384xi32, #tpu.memory_space<hbm>> -> memref<512xi32, #tpu.memory_space<hbm>>
    %dma_wait3A_452 = arith.constant 4096 : i32
    %dma_wait3A_453 = tpu.memref_slice %arg6[%dma_wait3A_452] : memref<13312xi32, #tpu.memory_space<vmem>> -> memref<512xi32, #tpu.memory_space<vmem>>
    %dma_wait3A_454 = arith.constant 0 : i32
    %dma_wait3A_455 = tpu.memref_slice %arg2[%dma_wait3A_445, %dma_wait3A_454] : memref<26x16384xi32, #tpu.memory_space<hbm>> -> memref<1x16384xi32, #tpu.memory_space<hbm>>
    %dma_wait3A_456 = tpu.memref_squeeze %dma_wait3A_455 : memref<1x16384xi32, #tpu.memory_space<hbm>> -> memref<16384xi32, #tpu.memory_space<hbm>>
    %dma_wait3A_457 = tpu.memref_slice %dma_wait3A_456[%mul3A_2] : memref<16384xi32, #tpu.memory_space<hbm>> -> memref<512xi32, #tpu.memory_space<hbm>>
    tpu.wait_dma2 semaphore(%arg10 : memref<!tpu.dma_semaphore, #tpu.memory_space<semaphore_mem>>) src(%dma_wait3A_457 : memref<512xi32, #tpu.memory_space<hbm>>) dst(%dma_wait3A_453 : memref<512xi32, #tpu.memory_space<vmem>>)
    %dma_wait3A_458 = arith.constant 9 : i32
    %dma_wait3A_459 = arith.constant 4608 : i32
    %dma_wait3A_460 = tpu.memref_slice %arg6[%dma_wait3A_459] : memref<13312xi32, #tpu.memory_space<vmem>> -> memref<512xi32, #tpu.memory_space<vmem>>
    %dma_wait3A_461 = arith.constant 0 : i32
    %dma_wait3A_462 = tpu.memref_slice %arg2[%dma_wait3A_458, %dma_wait3A_461] : memref<26x16384xi32, #tpu.memory_space<hbm>> -> memref<1x16384xi32, #tpu.memory_space<hbm>>
    %dma_wait3A_463 = tpu.memref_squeeze %dma_wait3A_462 : memref<1x16384xi32, #tpu.memory_space<hbm>> -> memref<16384xi32, #tpu.memory_space<hbm>>
    %dma_wait3A_464 = tpu.memref_slice %dma_wait3A_463[%mul3A_2] : memref<16384xi32, #tpu.memory_space<hbm>> -> memref<512xi32, #tpu.memory_space<hbm>>
    %dma_wait3A_465 = arith.constant 4608 : i32
    %dma_wait3A_466 = tpu.memref_slice %arg6[%dma_wait3A_465] : memref<13312xi32, #tpu.memory_space<vmem>> -> memref<512xi32, #tpu.memory_space<vmem>>
    %dma_wait3A_467 = arith.constant 0 : i32
    %dma_wait3A_468 = tpu.memref_slice %arg2[%dma_wait3A_458, %dma_wait3A_467] : memref<26x16384xi32, #tpu.memory_space<hbm>> -> memref<1x16384xi32, #tpu.memory_space<hbm>>
    %dma_wait3A_469 = tpu.memref_squeeze %dma_wait3A_468 : memref<1x16384xi32, #tpu.memory_space<hbm>> -> memref<16384xi32, #tpu.memory_space<hbm>>
    %dma_wait3A_470 = tpu.memref_slice %dma_wait3A_469[%mul3A_2] : memref<16384xi32, #tpu.memory_space<hbm>> -> memref<512xi32, #tpu.memory_space<hbm>>
    tpu.wait_dma2 semaphore(%arg10 : memref<!tpu.dma_semaphore, #tpu.memory_space<semaphore_mem>>) src(%dma_wait3A_470 : memref<512xi32, #tpu.memory_space<hbm>>) dst(%dma_wait3A_466 : memref<512xi32, #tpu.memory_space<vmem>>)
    %dma_wait3A_471 = arith.constant 10 : i32
    %dma_wait3A_472 = arith.constant 5120 : i32
    %dma_wait3A_473 = tpu.memref_slice %arg6[%dma_wait3A_472] : memref<13312xi32, #tpu.memory_space<vmem>> -> memref<512xi32, #tpu.memory_space<vmem>>
    %dma_wait3A_474 = arith.constant 0 : i32
    %dma_wait3A_475 = tpu.memref_slice %arg2[%dma_wait3A_471, %dma_wait3A_474] : memref<26x16384xi32, #tpu.memory_space<hbm>> -> memref<1x16384xi32, #tpu.memory_space<hbm>>
    %dma_wait3A_476 = tpu.memref_squeeze %dma_wait3A_475 : memref<1x16384xi32, #tpu.memory_space<hbm>> -> memref<16384xi32, #tpu.memory_space<hbm>>
    %dma_wait3A_477 = tpu.memref_slice %dma_wait3A_476[%mul3A_2] : memref<16384xi32, #tpu.memory_space<hbm>> -> memref<512xi32, #tpu.memory_space<hbm>>
    %dma_wait3A_478 = arith.constant 5120 : i32
    %dma_wait3A_479 = tpu.memref_slice %arg6[%dma_wait3A_478] : memref<13312xi32, #tpu.memory_space<vmem>> -> memref<512xi32, #tpu.memory_space<vmem>>
    %dma_wait3A_480 = arith.constant 0 : i32
    %dma_wait3A_481 = tpu.memref_slice %arg2[%dma_wait3A_471, %dma_wait3A_480] : memref<26x16384xi32, #tpu.memory_space<hbm>> -> memref<1x16384xi32, #tpu.memory_space<hbm>>
    %dma_wait3A_482 = tpu.memref_squeeze %dma_wait3A_481 : memref<1x16384xi32, #tpu.memory_space<hbm>> -> memref<16384xi32, #tpu.memory_space<hbm>>
    %dma_wait3A_483 = tpu.memref_slice %dma_wait3A_482[%mul3A_2] : memref<16384xi32, #tpu.memory_space<hbm>> -> memref<512xi32, #tpu.memory_space<hbm>>
    tpu.wait_dma2 semaphore(%arg10 : memref<!tpu.dma_semaphore, #tpu.memory_space<semaphore_mem>>) src(%dma_wait3A_483 : memref<512xi32, #tpu.memory_space<hbm>>) dst(%dma_wait3A_479 : memref<512xi32, #tpu.memory_space<vmem>>)
    %dma_wait3A_484 = arith.constant 11 : i32
    %dma_wait3A_485 = arith.constant 5632 : i32
    %dma_wait3A_486 = tpu.memref_slice %arg6[%dma_wait3A_485] : memref<13312xi32, #tpu.memory_space<vmem>> -> memref<512xi32, #tpu.memory_space<vmem>>
    %dma_wait3A_487 = arith.constant 0 : i32
    %dma_wait3A_488 = tpu.memref_slice %arg2[%dma_wait3A_484, %dma_wait3A_487] : memref<26x16384xi32, #tpu.memory_space<hbm>> -> memref<1x16384xi32, #tpu.memory_space<hbm>>
    %dma_wait3A_489 = tpu.memref_squeeze %dma_wait3A_488 : memref<1x16384xi32, #tpu.memory_space<hbm>> -> memref<16384xi32, #tpu.memory_space<hbm>>
    %dma_wait3A_490 = tpu.memref_slice %dma_wait3A_489[%mul3A_2] : memref<16384xi32, #tpu.memory_space<hbm>> -> memref<512xi32, #tpu.memory_space<hbm>>
    %dma_wait3A_491 = arith.constant 5632 : i32
    %dma_wait3A_492 = tpu.memref_slice %arg6[%dma_wait3A_491] : memref<13312xi32, #tpu.memory_space<vmem>> -> memref<512xi32, #tpu.memory_space<vmem>>
    %dma_wait3A_493 = arith.constant 0 : i32
    %dma_wait3A_494 = tpu.memref_slice %arg2[%dma_wait3A_484, %dma_wait3A_493] : memref<26x16384xi32, #tpu.memory_space<hbm>> -> memref<1x16384xi32, #tpu.memory_space<hbm>>
    %dma_wait3A_495 = tpu.memref_squeeze %dma_wait3A_494 : memref<1x16384xi32, #tpu.memory_space<hbm>> -> memref<16384xi32, #tpu.memory_space<hbm>>
    %dma_wait3A_496 = tpu.memref_slice %dma_wait3A_495[%mul3A_2] : memref<16384xi32, #tpu.memory_space<hbm>> -> memref<512xi32, #tpu.memory_space<hbm>>
    tpu.wait_dma2 semaphore(%arg10 : memref<!tpu.dma_semaphore, #tpu.memory_space<semaphore_mem>>) src(%dma_wait3A_496 : memref<512xi32, #tpu.memory_space<hbm>>) dst(%dma_wait3A_492 : memref<512xi32, #tpu.memory_space<vmem>>)
    %dma_wait3A_497 = arith.constant 12 : i32
    %dma_wait3A_498 = arith.constant 6144 : i32
    %dma_wait3A_499 = tpu.memref_slice %arg6[%dma_wait3A_498] : memref<13312xi32, #tpu.memory_space<vmem>> -> memref<512xi32, #tpu.memory_space<vmem>>
    %dma_wait3A_500 = arith.constant 0 : i32
    %dma_wait3A_501 = tpu.memref_slice %arg2[%dma_wait3A_497, %dma_wait3A_500] : memref<26x16384xi32, #tpu.memory_space<hbm>> -> memref<1x16384xi32, #tpu.memory_space<hbm>>
    %dma_wait3A_502 = tpu.memref_squeeze %dma_wait3A_501 : memref<1x16384xi32, #tpu.memory_space<hbm>> -> memref<16384xi32, #tpu.memory_space<hbm>>
    %dma_wait3A_503 = tpu.memref_slice %dma_wait3A_502[%mul3A_2] : memref<16384xi32, #tpu.memory_space<hbm>> -> memref<512xi32, #tpu.memory_space<hbm>>
    %dma_wait3A_504 = arith.constant 6144 : i32
    %dma_wait3A_505 = tpu.memref_slice %arg6[%dma_wait3A_504] : memref<13312xi32, #tpu.memory_space<vmem>> -> memref<512xi32, #tpu.memory_space<vmem>>
    %dma_wait3A_506 = arith.constant 0 : i32
    %dma_wait3A_507 = tpu.memref_slice %arg2[%dma_wait3A_497, %dma_wait3A_506] : memref<26x16384xi32, #tpu.memory_space<hbm>> -> memref<1x16384xi32, #tpu.memory_space<hbm>>
    %dma_wait3A_508 = tpu.memref_squeeze %dma_wait3A_507 : memref<1x16384xi32, #tpu.memory_space<hbm>> -> memref<16384xi32, #tpu.memory_space<hbm>>
    %dma_wait3A_509 = tpu.memref_slice %dma_wait3A_508[%mul3A_2] : memref<16384xi32, #tpu.memory_space<hbm>> -> memref<512xi32, #tpu.memory_space<hbm>>
    tpu.wait_dma2 semaphore(%arg10 : memref<!tpu.dma_semaphore, #tpu.memory_space<semaphore_mem>>) src(%dma_wait3A_509 : memref<512xi32, #tpu.memory_space<hbm>>) dst(%dma_wait3A_505 : memref<512xi32, #tpu.memory_space<vmem>>)
    %dma_wait3A_510 = arith.constant 13 : i32
    %dma_wait3A_511 = arith.constant 6656 : i32
    %dma_wait3A_512 = tpu.memref_slice %arg6[%dma_wait3A_511] : memref<13312xi32, #tpu.memory_space<vmem>> -> memref<512xi32, #tpu.memory_space<vmem>>
    %dma_wait3A_513 = arith.constant 0 : i32
    %dma_wait3A_514 = tpu.memref_slice %arg2[%dma_wait3A_510, %dma_wait3A_513] : memref<26x16384xi32, #tpu.memory_space<hbm>> -> memref<1x16384xi32, #tpu.memory_space<hbm>>
    %dma_wait3A_515 = tpu.memref_squeeze %dma_wait3A_514 : memref<1x16384xi32, #tpu.memory_space<hbm>> -> memref<16384xi32, #tpu.memory_space<hbm>>
    %dma_wait3A_516 = tpu.memref_slice %dma_wait3A_515[%mul3A_2] : memref<16384xi32, #tpu.memory_space<hbm>> -> memref<512xi32, #tpu.memory_space<hbm>>
    %dma_wait3A_517 = arith.constant 6656 : i32
    %dma_wait3A_518 = tpu.memref_slice %arg6[%dma_wait3A_517] : memref<13312xi32, #tpu.memory_space<vmem>> -> memref<512xi32, #tpu.memory_space<vmem>>
    %dma_wait3A_519 = arith.constant 0 : i32
    %dma_wait3A_520 = tpu.memref_slice %arg2[%dma_wait3A_510, %dma_wait3A_519] : memref<26x16384xi32, #tpu.memory_space<hbm>> -> memref<1x16384xi32, #tpu.memory_space<hbm>>
    %dma_wait3A_521 = tpu.memref_squeeze %dma_wait3A_520 : memref<1x16384xi32, #tpu.memory_space<hbm>> -> memref<16384xi32, #tpu.memory_space<hbm>>
    %dma_wait3A_522 = tpu.memref_slice %dma_wait3A_521[%mul3A_2] : memref<16384xi32, #tpu.memory_space<hbm>> -> memref<512xi32, #tpu.memory_space<hbm>>
    tpu.wait_dma2 semaphore(%arg10 : memref<!tpu.dma_semaphore, #tpu.memory_space<semaphore_mem>>) src(%dma_wait3A_522 : memref<512xi32, #tpu.memory_space<hbm>>) dst(%dma_wait3A_518 : memref<512xi32, #tpu.memory_space<vmem>>)
    %dma_wait3A_523 = arith.constant 14 : i32
    %dma_wait3A_524 = arith.constant 7168 : i32
    %dma_wait3A_525 = tpu.memref_slice %arg6[%dma_wait3A_524] : memref<13312xi32, #tpu.memory_space<vmem>> -> memref<512xi32, #tpu.memory_space<vmem>>
    %dma_wait3A_526 = arith.constant 0 : i32
    %dma_wait3A_527 = tpu.memref_slice %arg2[%dma_wait3A_523, %dma_wait3A_526] : memref<26x16384xi32, #tpu.memory_space<hbm>> -> memref<1x16384xi32, #tpu.memory_space<hbm>>
    %dma_wait3A_528 = tpu.memref_squeeze %dma_wait3A_527 : memref<1x16384xi32, #tpu.memory_space<hbm>> -> memref<16384xi32, #tpu.memory_space<hbm>>
    %dma_wait3A_529 = tpu.memref_slice %dma_wait3A_528[%mul3A_2] : memref<16384xi32, #tpu.memory_space<hbm>> -> memref<512xi32, #tpu.memory_space<hbm>>
    %dma_wait3A_530 = arith.constant 7168 : i32
    %dma_wait3A_531 = tpu.memref_slice %arg6[%dma_wait3A_530] : memref<13312xi32, #tpu.memory_space<vmem>> -> memref<512xi32, #tpu.memory_space<vmem>>
    %dma_wait3A_532 = arith.constant 0 : i32
    %dma_wait3A_533 = tpu.memref_slice %arg2[%dma_wait3A_523, %dma_wait3A_532] : memref<26x16384xi32, #tpu.memory_space<hbm>> -> memref<1x16384xi32, #tpu.memory_space<hbm>>
    %dma_wait3A_534 = tpu.memref_squeeze %dma_wait3A_533 : memref<1x16384xi32, #tpu.memory_space<hbm>> -> memref<16384xi32, #tpu.memory_space<hbm>>
    %dma_wait3A_535 = tpu.memref_slice %dma_wait3A_534[%mul3A_2] : memref<16384xi32, #tpu.memory_space<hbm>> -> memref<512xi32, #tpu.memory_space<hbm>>
    tpu.wait_dma2 semaphore(%arg10 : memref<!tpu.dma_semaphore, #tpu.memory_space<semaphore_mem>>) src(%dma_wait3A_535 : memref<512xi32, #tpu.memory_space<hbm>>) dst(%dma_wait3A_531 : memref<512xi32, #tpu.memory_space<vmem>>)
    %dma_wait3A_536 = arith.constant 15 : i32
    %dma_wait3A_537 = arith.constant 7680 : i32
    %dma_wait3A_538 = tpu.memref_slice %arg6[%dma_wait3A_537] : memref<13312xi32, #tpu.memory_space<vmem>> -> memref<512xi32, #tpu.memory_space<vmem>>
    %dma_wait3A_539 = arith.constant 0 : i32
    %dma_wait3A_540 = tpu.memref_slice %arg2[%dma_wait3A_536, %dma_wait3A_539] : memref<26x16384xi32, #tpu.memory_space<hbm>> -> memref<1x16384xi32, #tpu.memory_space<hbm>>
    %dma_wait3A_541 = tpu.memref_squeeze %dma_wait3A_540 : memref<1x16384xi32, #tpu.memory_space<hbm>> -> memref<16384xi32, #tpu.memory_space<hbm>>
    %dma_wait3A_542 = tpu.memref_slice %dma_wait3A_541[%mul3A_2] : memref<16384xi32, #tpu.memory_space<hbm>> -> memref<512xi32, #tpu.memory_space<hbm>>
    %dma_wait3A_543 = arith.constant 7680 : i32
    %dma_wait3A_544 = tpu.memref_slice %arg6[%dma_wait3A_543] : memref<13312xi32, #tpu.memory_space<vmem>> -> memref<512xi32, #tpu.memory_space<vmem>>
    %dma_wait3A_545 = arith.constant 0 : i32
    %dma_wait3A_546 = tpu.memref_slice %arg2[%dma_wait3A_536, %dma_wait3A_545] : memref<26x16384xi32, #tpu.memory_space<hbm>> -> memref<1x16384xi32, #tpu.memory_space<hbm>>
    %dma_wait3A_547 = tpu.memref_squeeze %dma_wait3A_546 : memref<1x16384xi32, #tpu.memory_space<hbm>> -> memref<16384xi32, #tpu.memory_space<hbm>>
    %dma_wait3A_548 = tpu.memref_slice %dma_wait3A_547[%mul3A_2] : memref<16384xi32, #tpu.memory_space<hbm>> -> memref<512xi32, #tpu.memory_space<hbm>>
    tpu.wait_dma2 semaphore(%arg10 : memref<!tpu.dma_semaphore, #tpu.memory_space<semaphore_mem>>) src(%dma_wait3A_548 : memref<512xi32, #tpu.memory_space<hbm>>) dst(%dma_wait3A_544 : memref<512xi32, #tpu.memory_space<vmem>>)
    %dma_wait3A_549 = arith.constant 16 : i32
    %dma_wait3A_550 = arith.constant 8192 : i32
    %dma_wait3A_551 = tpu.memref_slice %arg6[%dma_wait3A_550] : memref<13312xi32, #tpu.memory_space<vmem>> -> memref<512xi32, #tpu.memory_space<vmem>>
    %dma_wait3A_552 = arith.constant 0 : i32
    %dma_wait3A_553 = tpu.memref_slice %arg2[%dma_wait3A_549, %dma_wait3A_552] : memref<26x16384xi32, #tpu.memory_space<hbm>> -> memref<1x16384xi32, #tpu.memory_space<hbm>>
    %dma_wait3A_554 = tpu.memref_squeeze %dma_wait3A_553 : memref<1x16384xi32, #tpu.memory_space<hbm>> -> memref<16384xi32, #tpu.memory_space<hbm>>
    %dma_wait3A_555 = tpu.memref_slice %dma_wait3A_554[%mul3A_2] : memref<16384xi32, #tpu.memory_space<hbm>> -> memref<512xi32, #tpu.memory_space<hbm>>
    %dma_wait3A_556 = arith.constant 8192 : i32
    %dma_wait3A_557 = tpu.memref_slice %arg6[%dma_wait3A_556] : memref<13312xi32, #tpu.memory_space<vmem>> -> memref<512xi32, #tpu.memory_space<vmem>>
    %dma_wait3A_558 = arith.constant 0 : i32
    %dma_wait3A_559 = tpu.memref_slice %arg2[%dma_wait3A_549, %dma_wait3A_558] : memref<26x16384xi32, #tpu.memory_space<hbm>> -> memref<1x16384xi32, #tpu.memory_space<hbm>>
    %dma_wait3A_560 = tpu.memref_squeeze %dma_wait3A_559 : memref<1x16384xi32, #tpu.memory_space<hbm>> -> memref<16384xi32, #tpu.memory_space<hbm>>
    %dma_wait3A_561 = tpu.memref_slice %dma_wait3A_560[%mul3A_2] : memref<16384xi32, #tpu.memory_space<hbm>> -> memref<512xi32, #tpu.memory_space<hbm>>
    tpu.wait_dma2 semaphore(%arg10 : memref<!tpu.dma_semaphore, #tpu.memory_space<semaphore_mem>>) src(%dma_wait3A_561 : memref<512xi32, #tpu.memory_space<hbm>>) dst(%dma_wait3A_557 : memref<512xi32, #tpu.memory_space<vmem>>)
    %dma_wait3A_562 = arith.constant 17 : i32
    %dma_wait3A_563 = arith.constant 8704 : i32
    %dma_wait3A_564 = tpu.memref_slice %arg6[%dma_wait3A_563] : memref<13312xi32, #tpu.memory_space<vmem>> -> memref<512xi32, #tpu.memory_space<vmem>>
    %dma_wait3A_565 = arith.constant 0 : i32
    %dma_wait3A_566 = tpu.memref_slice %arg2[%dma_wait3A_562, %dma_wait3A_565] : memref<26x16384xi32, #tpu.memory_space<hbm>> -> memref<1x16384xi32, #tpu.memory_space<hbm>>
    %dma_wait3A_567 = tpu.memref_squeeze %dma_wait3A_566 : memref<1x16384xi32, #tpu.memory_space<hbm>> -> memref<16384xi32, #tpu.memory_space<hbm>>
    %dma_wait3A_568 = tpu.memref_slice %dma_wait3A_567[%mul3A_2] : memref<16384xi32, #tpu.memory_space<hbm>> -> memref<512xi32, #tpu.memory_space<hbm>>
    %dma_wait3A_569 = arith.constant 8704 : i32
    %dma_wait3A_570 = tpu.memref_slice %arg6[%dma_wait3A_569] : memref<13312xi32, #tpu.memory_space<vmem>> -> memref<512xi32, #tpu.memory_space<vmem>>
    %dma_wait3A_571 = arith.constant 0 : i32
    %dma_wait3A_572 = tpu.memref_slice %arg2[%dma_wait3A_562, %dma_wait3A_571] : memref<26x16384xi32, #tpu.memory_space<hbm>> -> memref<1x16384xi32, #tpu.memory_space<hbm>>
    %dma_wait3A_573 = tpu.memref_squeeze %dma_wait3A_572 : memref<1x16384xi32, #tpu.memory_space<hbm>> -> memref<16384xi32, #tpu.memory_space<hbm>>
    %dma_wait3A_574 = tpu.memref_slice %dma_wait3A_573[%mul3A_2] : memref<16384xi32, #tpu.memory_space<hbm>> -> memref<512xi32, #tpu.memory_space<hbm>>
    tpu.wait_dma2 semaphore(%arg10 : memref<!tpu.dma_semaphore, #tpu.memory_space<semaphore_mem>>) src(%dma_wait3A_574 : memref<512xi32, #tpu.memory_space<hbm>>) dst(%dma_wait3A_570 : memref<512xi32, #tpu.memory_space<vmem>>)
    %dma_wait3A_575 = arith.constant 18 : i32
    %dma_wait3A_576 = arith.constant 9216 : i32
    %dma_wait3A_577 = tpu.memref_slice %arg6[%dma_wait3A_576] : memref<13312xi32, #tpu.memory_space<vmem>> -> memref<512xi32, #tpu.memory_space<vmem>>
    %dma_wait3A_578 = arith.constant 0 : i32
    %dma_wait3A_579 = tpu.memref_slice %arg2[%dma_wait3A_575, %dma_wait3A_578] : memref<26x16384xi32, #tpu.memory_space<hbm>> -> memref<1x16384xi32, #tpu.memory_space<hbm>>
    %dma_wait3A_580 = tpu.memref_squeeze %dma_wait3A_579 : memref<1x16384xi32, #tpu.memory_space<hbm>> -> memref<16384xi32, #tpu.memory_space<hbm>>
    %dma_wait3A_581 = tpu.memref_slice %dma_wait3A_580[%mul3A_2] : memref<16384xi32, #tpu.memory_space<hbm>> -> memref<512xi32, #tpu.memory_space<hbm>>
    %dma_wait3A_582 = arith.constant 9216 : i32
    %dma_wait3A_583 = tpu.memref_slice %arg6[%dma_wait3A_582] : memref<13312xi32, #tpu.memory_space<vmem>> -> memref<512xi32, #tpu.memory_space<vmem>>
    %dma_wait3A_584 = arith.constant 0 : i32
    %dma_wait3A_585 = tpu.memref_slice %arg2[%dma_wait3A_575, %dma_wait3A_584] : memref<26x16384xi32, #tpu.memory_space<hbm>> -> memref<1x16384xi32, #tpu.memory_space<hbm>>
    %dma_wait3A_586 = tpu.memref_squeeze %dma_wait3A_585 : memref<1x16384xi32, #tpu.memory_space<hbm>> -> memref<16384xi32, #tpu.memory_space<hbm>>
    %dma_wait3A_587 = tpu.memref_slice %dma_wait3A_586[%mul3A_2] : memref<16384xi32, #tpu.memory_space<hbm>> -> memref<512xi32, #tpu.memory_space<hbm>>
    tpu.wait_dma2 semaphore(%arg10 : memref<!tpu.dma_semaphore, #tpu.memory_space<semaphore_mem>>) src(%dma_wait3A_587 : memref<512xi32, #tpu.memory_space<hbm>>) dst(%dma_wait3A_583 : memref<512xi32, #tpu.memory_space<vmem>>)
    %dma_wait3A_588 = arith.constant 19 : i32
    %dma_wait3A_589 = arith.constant 9728 : i32
    %dma_wait3A_590 = tpu.memref_slice %arg6[%dma_wait3A_589] : memref<13312xi32, #tpu.memory_space<vmem>> -> memref<512xi32, #tpu.memory_space<vmem>>
    %dma_wait3A_591 = arith.constant 0 : i32
    %dma_wait3A_592 = tpu.memref_slice %arg2[%dma_wait3A_588, %dma_wait3A_591] : memref<26x16384xi32, #tpu.memory_space<hbm>> -> memref<1x16384xi32, #tpu.memory_space<hbm>>
    %dma_wait3A_593 = tpu.memref_squeeze %dma_wait3A_592 : memref<1x16384xi32, #tpu.memory_space<hbm>> -> memref<16384xi32, #tpu.memory_space<hbm>>
    %dma_wait3A_594 = tpu.memref_slice %dma_wait3A_593[%mul3A_2] : memref<16384xi32, #tpu.memory_space<hbm>> -> memref<512xi32, #tpu.memory_space<hbm>>
    %dma_wait3A_595 = arith.constant 9728 : i32
    %dma_wait3A_596 = tpu.memref_slice %arg6[%dma_wait3A_595] : memref<13312xi32, #tpu.memory_space<vmem>> -> memref<512xi32, #tpu.memory_space<vmem>>
    %dma_wait3A_597 = arith.constant 0 : i32
    %dma_wait3A_598 = tpu.memref_slice %arg2[%dma_wait3A_588, %dma_wait3A_597] : memref<26x16384xi32, #tpu.memory_space<hbm>> -> memref<1x16384xi32, #tpu.memory_space<hbm>>
    %dma_wait3A_599 = tpu.memref_squeeze %dma_wait3A_598 : memref<1x16384xi32, #tpu.memory_space<hbm>> -> memref<16384xi32, #tpu.memory_space<hbm>>
    %dma_wait3A_600 = tpu.memref_slice %dma_wait3A_599[%mul3A_2] : memref<16384xi32, #tpu.memory_space<hbm>> -> memref<512xi32, #tpu.memory_space<hbm>>
    tpu.wait_dma2 semaphore(%arg10 : memref<!tpu.dma_semaphore, #tpu.memory_space<semaphore_mem>>) src(%dma_wait3A_600 : memref<512xi32, #tpu.memory_space<hbm>>) dst(%dma_wait3A_596 : memref<512xi32, #tpu.memory_space<vmem>>)
    %dma_wait3A_601 = arith.constant 20 : i32
    %dma_wait3A_602 = arith.constant 10240 : i32
    %dma_wait3A_603 = tpu.memref_slice %arg6[%dma_wait3A_602] : memref<13312xi32, #tpu.memory_space<vmem>> -> memref<512xi32, #tpu.memory_space<vmem>>
    %dma_wait3A_604 = arith.constant 0 : i32
    %dma_wait3A_605 = tpu.memref_slice %arg2[%dma_wait3A_601, %dma_wait3A_604] : memref<26x16384xi32, #tpu.memory_space<hbm>> -> memref<1x16384xi32, #tpu.memory_space<hbm>>
    %dma_wait3A_606 = tpu.memref_squeeze %dma_wait3A_605 : memref<1x16384xi32, #tpu.memory_space<hbm>> -> memref<16384xi32, #tpu.memory_space<hbm>>
    %dma_wait3A_607 = tpu.memref_slice %dma_wait3A_606[%mul3A_2] : memref<16384xi32, #tpu.memory_space<hbm>> -> memref<512xi32, #tpu.memory_space<hbm>>
    %dma_wait3A_608 = arith.constant 10240 : i32
    %dma_wait3A_609 = tpu.memref_slice %arg6[%dma_wait3A_608] : memref<13312xi32, #tpu.memory_space<vmem>> -> memref<512xi32, #tpu.memory_space<vmem>>
    %dma_wait3A_610 = arith.constant 0 : i32
    %dma_wait3A_611 = tpu.memref_slice %arg2[%dma_wait3A_601, %dma_wait3A_610] : memref<26x16384xi32, #tpu.memory_space<hbm>> -> memref<1x16384xi32, #tpu.memory_space<hbm>>
    %dma_wait3A_612 = tpu.memref_squeeze %dma_wait3A_611 : memref<1x16384xi32, #tpu.memory_space<hbm>> -> memref<16384xi32, #tpu.memory_space<hbm>>
    %dma_wait3A_613 = tpu.memref_slice %dma_wait3A_612[%mul3A_2] : memref<16384xi32, #tpu.memory_space<hbm>> -> memref<512xi32, #tpu.memory_space<hbm>>
    tpu.wait_dma2 semaphore(%arg10 : memref<!tpu.dma_semaphore, #tpu.memory_space<semaphore_mem>>) src(%dma_wait3A_613 : memref<512xi32, #tpu.memory_space<hbm>>) dst(%dma_wait3A_609 : memref<512xi32, #tpu.memory_space<vmem>>)
    %dma_wait3A_614 = arith.constant 21 : i32
    %dma_wait3A_615 = arith.constant 10752 : i32
    %dma_wait3A_616 = tpu.memref_slice %arg6[%dma_wait3A_615] : memref<13312xi32, #tpu.memory_space<vmem>> -> memref<512xi32, #tpu.memory_space<vmem>>
    %dma_wait3A_617 = arith.constant 0 : i32
    %dma_wait3A_618 = tpu.memref_slice %arg2[%dma_wait3A_614, %dma_wait3A_617] : memref<26x16384xi32, #tpu.memory_space<hbm>> -> memref<1x16384xi32, #tpu.memory_space<hbm>>
    %dma_wait3A_619 = tpu.memref_squeeze %dma_wait3A_618 : memref<1x16384xi32, #tpu.memory_space<hbm>> -> memref<16384xi32, #tpu.memory_space<hbm>>
    %dma_wait3A_620 = tpu.memref_slice %dma_wait3A_619[%mul3A_2] : memref<16384xi32, #tpu.memory_space<hbm>> -> memref<512xi32, #tpu.memory_space<hbm>>
    %dma_wait3A_621 = arith.constant 10752 : i32
    %dma_wait3A_622 = tpu.memref_slice %arg6[%dma_wait3A_621] : memref<13312xi32, #tpu.memory_space<vmem>> -> memref<512xi32, #tpu.memory_space<vmem>>
    %dma_wait3A_623 = arith.constant 0 : i32
    %dma_wait3A_624 = tpu.memref_slice %arg2[%dma_wait3A_614, %dma_wait3A_623] : memref<26x16384xi32, #tpu.memory_space<hbm>> -> memref<1x16384xi32, #tpu.memory_space<hbm>>
    %dma_wait3A_625 = tpu.memref_squeeze %dma_wait3A_624 : memref<1x16384xi32, #tpu.memory_space<hbm>> -> memref<16384xi32, #tpu.memory_space<hbm>>
    %dma_wait3A_626 = tpu.memref_slice %dma_wait3A_625[%mul3A_2] : memref<16384xi32, #tpu.memory_space<hbm>> -> memref<512xi32, #tpu.memory_space<hbm>>
    tpu.wait_dma2 semaphore(%arg10 : memref<!tpu.dma_semaphore, #tpu.memory_space<semaphore_mem>>) src(%dma_wait3A_626 : memref<512xi32, #tpu.memory_space<hbm>>) dst(%dma_wait3A_622 : memref<512xi32, #tpu.memory_space<vmem>>)
    %dma_wait3A_627 = arith.constant 22 : i32
    %dma_wait3A_628 = arith.constant 11264 : i32
    %dma_wait3A_629 = tpu.memref_slice %arg6[%dma_wait3A_628] : memref<13312xi32, #tpu.memory_space<vmem>> -> memref<512xi32, #tpu.memory_space<vmem>>
    %dma_wait3A_630 = arith.constant 0 : i32
    %dma_wait3A_631 = tpu.memref_slice %arg2[%dma_wait3A_627, %dma_wait3A_630] : memref<26x16384xi32, #tpu.memory_space<hbm>> -> memref<1x16384xi32, #tpu.memory_space<hbm>>
    %dma_wait3A_632 = tpu.memref_squeeze %dma_wait3A_631 : memref<1x16384xi32, #tpu.memory_space<hbm>> -> memref<16384xi32, #tpu.memory_space<hbm>>
    %dma_wait3A_633 = tpu.memref_slice %dma_wait3A_632[%mul3A_2] : memref<16384xi32, #tpu.memory_space<hbm>> -> memref<512xi32, #tpu.memory_space<hbm>>
    %dma_wait3A_634 = arith.constant 11264 : i32
    %dma_wait3A_635 = tpu.memref_slice %arg6[%dma_wait3A_634] : memref<13312xi32, #tpu.memory_space<vmem>> -> memref<512xi32, #tpu.memory_space<vmem>>
    %dma_wait3A_636 = arith.constant 0 : i32
    %dma_wait3A_637 = tpu.memref_slice %arg2[%dma_wait3A_627, %dma_wait3A_636] : memref<26x16384xi32, #tpu.memory_space<hbm>> -> memref<1x16384xi32, #tpu.memory_space<hbm>>
    %dma_wait3A_638 = tpu.memref_squeeze %dma_wait3A_637 : memref<1x16384xi32, #tpu.memory_space<hbm>> -> memref<16384xi32, #tpu.memory_space<hbm>>
    %dma_wait3A_639 = tpu.memref_slice %dma_wait3A_638[%mul3A_2] : memref<16384xi32, #tpu.memory_space<hbm>> -> memref<512xi32, #tpu.memory_space<hbm>>
    tpu.wait_dma2 semaphore(%arg10 : memref<!tpu.dma_semaphore, #tpu.memory_space<semaphore_mem>>) src(%dma_wait3A_639 : memref<512xi32, #tpu.memory_space<hbm>>) dst(%dma_wait3A_635 : memref<512xi32, #tpu.memory_space<vmem>>)
    %dma_wait3A_640 = arith.constant 23 : i32
    %dma_wait3A_641 = arith.constant 11776 : i32
    %dma_wait3A_642 = tpu.memref_slice %arg6[%dma_wait3A_641] : memref<13312xi32, #tpu.memory_space<vmem>> -> memref<512xi32, #tpu.memory_space<vmem>>
    %dma_wait3A_643 = arith.constant 0 : i32
    %dma_wait3A_644 = tpu.memref_slice %arg2[%dma_wait3A_640, %dma_wait3A_643] : memref<26x16384xi32, #tpu.memory_space<hbm>> -> memref<1x16384xi32, #tpu.memory_space<hbm>>
    %dma_wait3A_645 = tpu.memref_squeeze %dma_wait3A_644 : memref<1x16384xi32, #tpu.memory_space<hbm>> -> memref<16384xi32, #tpu.memory_space<hbm>>
    %dma_wait3A_646 = tpu.memref_slice %dma_wait3A_645[%mul3A_2] : memref<16384xi32, #tpu.memory_space<hbm>> -> memref<512xi32, #tpu.memory_space<hbm>>
    %dma_wait3A_647 = arith.constant 11776 : i32
    %dma_wait3A_648 = tpu.memref_slice %arg6[%dma_wait3A_647] : memref<13312xi32, #tpu.memory_space<vmem>> -> memref<512xi32, #tpu.memory_space<vmem>>
    %dma_wait3A_649 = arith.constant 0 : i32
    %dma_wait3A_650 = tpu.memref_slice %arg2[%dma_wait3A_640, %dma_wait3A_649] : memref<26x16384xi32, #tpu.memory_space<hbm>> -> memref<1x16384xi32, #tpu.memory_space<hbm>>
    %dma_wait3A_651 = tpu.memref_squeeze %dma_wait3A_650 : memref<1x16384xi32, #tpu.memory_space<hbm>> -> memref<16384xi32, #tpu.memory_space<hbm>>
    %dma_wait3A_652 = tpu.memref_slice %dma_wait3A_651[%mul3A_2] : memref<16384xi32, #tpu.memory_space<hbm>> -> memref<512xi32, #tpu.memory_space<hbm>>
    tpu.wait_dma2 semaphore(%arg10 : memref<!tpu.dma_semaphore, #tpu.memory_space<semaphore_mem>>) src(%dma_wait3A_652 : memref<512xi32, #tpu.memory_space<hbm>>) dst(%dma_wait3A_648 : memref<512xi32, #tpu.memory_space<vmem>>)
    %dma_wait3A_653 = arith.constant 24 : i32
    %dma_wait3A_654 = arith.constant 12288 : i32
    %dma_wait3A_655 = tpu.memref_slice %arg6[%dma_wait3A_654] : memref<13312xi32, #tpu.memory_space<vmem>> -> memref<512xi32, #tpu.memory_space<vmem>>
    %dma_wait3A_656 = arith.constant 0 : i32
    %dma_wait3A_657 = tpu.memref_slice %arg2[%dma_wait3A_653, %dma_wait3A_656] : memref<26x16384xi32, #tpu.memory_space<hbm>> -> memref<1x16384xi32, #tpu.memory_space<hbm>>
    %dma_wait3A_658 = tpu.memref_squeeze %dma_wait3A_657 : memref<1x16384xi32, #tpu.memory_space<hbm>> -> memref<16384xi32, #tpu.memory_space<hbm>>
    %dma_wait3A_659 = tpu.memref_slice %dma_wait3A_658[%mul3A_2] : memref<16384xi32, #tpu.memory_space<hbm>> -> memref<512xi32, #tpu.memory_space<hbm>>
    %dma_wait3A_660 = arith.constant 12288 : i32
    %dma_wait3A_661 = tpu.memref_slice %arg6[%dma_wait3A_660] : memref<13312xi32, #tpu.memory_space<vmem>> -> memref<512xi32, #tpu.memory_space<vmem>>
    %dma_wait3A_662 = arith.constant 0 : i32
    %dma_wait3A_663 = tpu.memref_slice %arg2[%dma_wait3A_653, %dma_wait3A_662] : memref<26x16384xi32, #tpu.memory_space<hbm>> -> memref<1x16384xi32, #tpu.memory_space<hbm>>
    %dma_wait3A_664 = tpu.memref_squeeze %dma_wait3A_663 : memref<1x16384xi32, #tpu.memory_space<hbm>> -> memref<16384xi32, #tpu.memory_space<hbm>>
    %dma_wait3A_665 = tpu.memref_slice %dma_wait3A_664[%mul3A_2] : memref<16384xi32, #tpu.memory_space<hbm>> -> memref<512xi32, #tpu.memory_space<hbm>>
    tpu.wait_dma2 semaphore(%arg10 : memref<!tpu.dma_semaphore, #tpu.memory_space<semaphore_mem>>) src(%dma_wait3A_665 : memref<512xi32, #tpu.memory_space<hbm>>) dst(%dma_wait3A_661 : memref<512xi32, #tpu.memory_space<vmem>>)
    %dma_wait3A_666 = arith.constant 25 : i32
    %dma_wait3A_667 = arith.constant 12800 : i32
    %dma_wait3A_668 = tpu.memref_slice %arg6[%dma_wait3A_667] : memref<13312xi32, #tpu.memory_space<vmem>> -> memref<512xi32, #tpu.memory_space<vmem>>
    %dma_wait3A_669 = arith.constant 0 : i32
    %dma_wait3A_670 = tpu.memref_slice %arg2[%dma_wait3A_666, %dma_wait3A_669] : memref<26x16384xi32, #tpu.memory_space<hbm>> -> memref<1x16384xi32, #tpu.memory_space<hbm>>
    %dma_wait3A_671 = tpu.memref_squeeze %dma_wait3A_670 : memref<1x16384xi32, #tpu.memory_space<hbm>> -> memref<16384xi32, #tpu.memory_space<hbm>>
    %dma_wait3A_672 = tpu.memref_slice %dma_wait3A_671[%mul3A_2] : memref<16384xi32, #tpu.memory_space<hbm>> -> memref<512xi32, #tpu.memory_space<hbm>>
    %dma_wait3A_673 = arith.constant 12800 : i32
    %dma_wait3A_674 = tpu.memref_slice %arg6[%dma_wait3A_673] : memref<13312xi32, #tpu.memory_space<vmem>> -> memref<512xi32, #tpu.memory_space<vmem>>
    %dma_wait3A_675 = arith.constant 0 : i32
    %dma_wait3A_676 = tpu.memref_slice %arg2[%dma_wait3A_666, %dma_wait3A_675] : memref<26x16384xi32, #tpu.memory_space<hbm>> -> memref<1x16384xi32, #tpu.memory_space<hbm>>
    %dma_wait3A_677 = tpu.memref_squeeze %dma_wait3A_676 : memref<1x16384xi32, #tpu.memory_space<hbm>> -> memref<16384xi32, #tpu.memory_space<hbm>>
    %dma_wait3A_678 = tpu.memref_slice %dma_wait3A_677[%mul3A_2] : memref<16384xi32, #tpu.memory_space<hbm>> -> memref<512xi32, #tpu.memory_space<hbm>>
    tpu.wait_dma2 semaphore(%arg10 : memref<!tpu.dma_semaphore, #tpu.memory_space<semaphore_mem>>) src(%dma_wait3A_678 : memref<512xi32, #tpu.memory_space<hbm>>) dst(%dma_wait3A_674 : memref<512xi32, #tpu.memory_space<vmem>>)
    %dma_wait3A_679 = tpu.memref_slice %arg4[%mul3A_2] : memref<16384xf32, #tpu.memory_space<hbm>> -> memref<512xf32, #tpu.memory_space<hbm>>
    %dma_wait3A_680 = tpu.memref_slice %arg4[%mul3A_2] : memref<16384xf32, #tpu.memory_space<hbm>> -> memref<512xf32, #tpu.memory_space<hbm>>
    tpu.wait_dma2 semaphore(%arg10 : memref<!tpu.dma_semaphore, #tpu.memory_space<semaphore_mem>>) src(%dma_wait3A_680 : memref<512xf32, #tpu.memory_space<hbm>>) dst(%arg8 : memref<512xf32, #tpu.memory_space<vmem>>)
    %dma_start3A_681 = arith.constant 0 : i32
    %dma_start3A_682 = arith.constant 0 : i32
    %dma_start3A_683 = tpu.memref_slice %arg7[%dma_start3A_682] : memref<13312xf32, #tpu.memory_space<vmem>> -> memref<512xf32, #tpu.memory_space<vmem>>
    %dma_start3A_684 = arith.constant 0 : i32
    %dma_start3A_685 = tpu.memref_slice %arg6[%dma_start3A_684] : memref<13312xi32, #tpu.memory_space<vmem>> -> memref<512xi32, #tpu.memory_space<vmem>>
    %dma_start3A_686 = arith.constant 0 : i32
    %dma_start3A_687 = tpu.memref_slice %arg3[%dma_start3A_681, %dma_start3A_686] : memref<26x1000000xf32, #tpu.memory_space<hbm>> -> memref<1x1000000xf32, #tpu.memory_space<hbm>>
    %dma_start3A_688 = tpu.memref_squeeze %dma_start3A_687 : memref<1x1000000xf32, #tpu.memory_space<hbm>> -> memref<1000000xf32, #tpu.memory_space<hbm>>
    %dma_start3A_689 = arith.constant 0 : i32
    %dma_start3A_690 = tpu.memref_slice %dma_start3A_688[%dma_start3A_689] : memref<1000000xf32, #tpu.memory_space<hbm>> -> memref<1000000xf32, #tpu.memory_space<hbm>>
    tpu.enqueue_indirect_dma source(%dma_start3A_690 : memref<1000000xf32, #tpu.memory_space<hbm>>) target(%dma_start3A_683 : memref<512xf32, #tpu.memory_space<vmem>>) offsets(%dma_start3A_685 : memref<512xi32, #tpu.memory_space<vmem>>) semaphore(%arg11 : memref<!tpu.dma_semaphore, #tpu.memory_space<semaphore_mem>>)
    %dma_wait3A_691 = arith.constant 0 : i32
    %dma_wait3A_692 = arith.constant 0 : i32
    %dma_wait3A_693 = tpu.memref_slice %arg7[%dma_wait3A_692] : memref<13312xf32, #tpu.memory_space<vmem>> -> memref<512xf32, #tpu.memory_space<vmem>>
    %dma_wait3A_694 = arith.constant 0 : i32
    %dma_wait3A_695 = tpu.memref_slice %arg6[%dma_wait3A_694] : memref<13312xi32, #tpu.memory_space<vmem>> -> memref<512xi32, #tpu.memory_space<vmem>>
    %dma_wait3A_696 = arith.constant 0 : i32
    %dma_wait3A_697 = tpu.memref_slice %arg3[%dma_wait3A_691, %dma_wait3A_696] : memref<26x1000000xf32, #tpu.memory_space<hbm>> -> memref<1x1000000xf32, #tpu.memory_space<hbm>>
    %dma_wait3A_698 = tpu.memref_squeeze %dma_wait3A_697 : memref<1x1000000xf32, #tpu.memory_space<hbm>> -> memref<1000000xf32, #tpu.memory_space<hbm>>
    %dma_wait3A_699 = arith.constant 0 : i32
    %dma_wait3A_700 = tpu.memref_slice %dma_wait3A_698[%dma_wait3A_699] : memref<1000000xf32, #tpu.memory_space<hbm>> -> memref<1000000xf32, #tpu.memory_space<hbm>>
    tpu.wait_indirect_dma semaphore(%arg11 : memref<!tpu.dma_semaphore, #tpu.memory_space<semaphore_mem>>) src(%dma_wait3A_700 : memref<1000000xf32, #tpu.memory_space<hbm>>) dst(%dma_wait3A_693 : memref<512xf32, #tpu.memory_space<vmem>>)
    %scan3A = arith.constant 0 : i32
    %scan3A_701 = arith.constant 32 : i32
    %scan3A_702 = arith.addi %scan3A, %scan3A_701 : i32
    %scan3A_703 = arith.constant 1 : i32
    scf.for %scan3A_705 = %scan3A to %scan3A_702 step %scan3A_703  : i32 {
      %mul3A_706 = arith.constant 1 : i32
      %mul3A_707 = arith.muli %scan3A_705, %mul3A_706 : i32
      %add3A_708 = arith.constant 0 : i32
      %add3A_709 = arith.addi %add3A_708, %mul3A_707 : i32
      %mul3A_710 = arith.constant 16 : i32
      %mul3A_711 = arith.muli %add3A_709, %mul3A_710 : i32
      %get3A = arith.index_cast %mul3A_711 : i32 to index
      %get3A_712 = tpu.vector_load %arg8[%get3A] {strides = array<i32>} : memref<512xf32, #tpu.memory_space<vmem>>, vector<16xf32>,
      %add3A_713 = arith.constant 0 : i32
      %add3A_714 = arith.addi %add3A_713, %mul3A_711 : i32
      %get3A_715 = arith.index_cast %add3A_714 : i32 to index
      %get3A_716 = tpu.vector_load %arg7[%get3A_715] {strides = array<i32>} : memref<13312xf32, #tpu.memory_space<vmem>>, vector<16xf32>,
      %add3A_717 = arith.addf %get3A_712, %get3A_716 : vector<16xf32>
      %add3A_718 = arith.constant 512 : i32
      %add3A_719 = arith.addi %add3A_718, %mul3A_711 : i32
      %get3A_720 = arith.index_cast %add3A_719 : i32 to index
      %get3A_721 = tpu.vector_load %arg7[%get3A_720] {strides = array<i32>} : memref<13312xf32, #tpu.memory_space<vmem>>, vector<16xf32>,
      %add3A_722 = arith.addf %add3A_717, %get3A_721 : vector<16xf32>
      %add3A_723 = arith.constant 1024 : i32
      %add3A_724 = arith.addi %add3A_723, %mul3A_711 : i32
      %get3A_725 = arith.index_cast %add3A_724 : i32 to index
      %get3A_726 = tpu.vector_load %arg7[%get3A_725] {strides = array<i32>} : memref<13312xf32, #tpu.memory_space<vmem>>, vector<16xf32>,
      %add3A_727 = arith.addf %add3A_722, %get3A_726 : vector<16xf32>
      %add3A_728 = arith.constant 1536 : i32
      %add3A_729 = arith.addi %add3A_728, %mul3A_711 : i32
      %get3A_730 = arith.index_cast %add3A_729 : i32 to index
      %get3A_731 = tpu.vector_load %arg7[%get3A_730] {strides = array<i32>} : memref<13312xf32, #tpu.memory_space<vmem>>, vector<16xf32>,
      %add3A_732 = arith.addf %add3A_727, %get3A_731 : vector<16xf32>
      %add3A_733 = arith.constant 2048 : i32
      %add3A_734 = arith.addi %add3A_733, %mul3A_711 : i32
      %get3A_735 = arith.index_cast %add3A_734 : i32 to index
      %get3A_736 = tpu.vector_load %arg7[%get3A_735] {strides = array<i32>} : memref<13312xf32, #tpu.memory_space<vmem>>, vector<16xf32>,
      %add3A_737 = arith.addf %add3A_732, %get3A_736 : vector<16xf32>
      %add3A_738 = arith.constant 2560 : i32
      %add3A_739 = arith.addi %add3A_738, %mul3A_711 : i32
      %get3A_740 = arith.index_cast %add3A_739 : i32 to index
      %get3A_741 = tpu.vector_load %arg7[%get3A_740] {strides = array<i32>} : memref<13312xf32, #tpu.memory_space<vmem>>, vector<16xf32>,
      %add3A_742 = arith.addf %add3A_737, %get3A_741 : vector<16xf32>
      %add3A_743 = arith.constant 3072 : i32
      %add3A_744 = arith.addi %add3A_743, %mul3A_711 : i32
      %get3A_745 = arith.index_cast %add3A_744 : i32 to index
      %get3A_746 = tpu.vector_load %arg7[%get3A_745] {strides = array<i32>} : memref<13312xf32, #tpu.memory_space<vmem>>, vector<16xf32>,
      %add3A_747 = arith.addf %add3A_742, %get3A_746 : vector<16xf32>
      %add3A_748 = arith.constant 3584 : i32
      %add3A_749 = arith.addi %add3A_748, %mul3A_711 : i32
      %get3A_750 = arith.index_cast %add3A_749 : i32 to index
      %get3A_751 = tpu.vector_load %arg7[%get3A_750] {strides = array<i32>} : memref<13312xf32, #tpu.memory_space<vmem>>, vector<16xf32>,
      %add3A_752 = arith.addf %add3A_747, %get3A_751 : vector<16xf32>
      %add3A_753 = arith.constant 4096 : i32
      %add3A_754 = arith.addi %add3A_753, %mul3A_711 : i32
      %get3A_755 = arith.index_cast %add3A_754 : i32 to index
      %get3A_756 = tpu.vector_load %arg7[%get3A_755] {strides = array<i32>} : memref<13312xf32, #tpu.memory_space<vmem>>, vector<16xf32>,
      %add3A_757 = arith.addf %add3A_752, %get3A_756 : vector<16xf32>
      %add3A_758 = arith.constant 4608 : i32
      %add3A_759 = arith.addi %add3A_758, %mul3A_711 : i32
      %get3A_760 = arith.index_cast %add3A_759 : i32 to index
      %get3A_761 = tpu.vector_load %arg7[%get3A_760] {strides = array<i32>} : memref<13312xf32, #tpu.memory_space<vmem>>, vector<16xf32>,
      %add3A_762 = arith.addf %add3A_757, %get3A_761 : vector<16xf32>
      %add3A_763 = arith.constant 5120 : i32
      %add3A_764 = arith.addi %add3A_763, %mul3A_711 : i32
      %get3A_765 = arith.index_cast %add3A_764 : i32 to index
      %get3A_766 = tpu.vector_load %arg7[%get3A_765] {strides = array<i32>} : memref<13312xf32, #tpu.memory_space<vmem>>, vector<16xf32>,
      %add3A_767 = arith.addf %add3A_762, %get3A_766 : vector<16xf32>
      %add3A_768 = arith.constant 5632 : i32
      %add3A_769 = arith.addi %add3A_768, %mul3A_711 : i32
      %get3A_770 = arith.index_cast %add3A_769 : i32 to index
      %get3A_771 = tpu.vector_load %arg7[%get3A_770] {strides = array<i32>} : memref<13312xf32, #tpu.memory_space<vmem>>, vector<16xf32>,
      %add3A_772 = arith.addf %add3A_767, %get3A_771 : vector<16xf32>
      %add3A_773 = arith.constant 6144 : i32
      %add3A_774 = arith.addi %add3A_773, %mul3A_711 : i32
      %get3A_775 = arith.index_cast %add3A_774 : i32 to index
      %get3A_776 = tpu.vector_load %arg7[%get3A_775] {strides = array<i32>} : memref<13312xf32, #tpu.memory_space<vmem>>, vector<16xf32>,
      %add3A_777 = arith.addf %add3A_772, %get3A_776 : vector<16xf32>
      %add3A_778 = arith.constant 6656 : i32
      %add3A_779 = arith.addi %add3A_778, %mul3A_711 : i32
      %get3A_780 = arith.index_cast %add3A_779 : i32 to index
      %get3A_781 = tpu.vector_load %arg7[%get3A_780] {strides = array<i32>} : memref<13312xf32, #tpu.memory_space<vmem>>, vector<16xf32>,
      %add3A_782 = arith.addf %add3A_777, %get3A_781 : vector<16xf32>
      %add3A_783 = arith.constant 7168 : i32
      %add3A_784 = arith.addi %add3A_783, %mul3A_711 : i32
      %get3A_785 = arith.index_cast %add3A_784 : i32 to index
      %get3A_786 = tpu.vector_load %arg7[%get3A_785] {strides = array<i32>} : memref<13312xf32, #tpu.memory_space<vmem>>, vector<16xf32>,
      %add3A_787 = arith.addf %add3A_782, %get3A_786 : vector<16xf32>
      %add3A_788 = arith.constant 7680 : i32
      %add3A_789 = arith.addi %add3A_788, %mul3A_711 : i32
      %get3A_790 = arith.index_cast %add3A_789 : i32 to index
      %get3A_791 = tpu.vector_load %arg7[%get3A_790] {strides = array<i32>} : memref<13312xf32, #tpu.memory_space<vmem>>, vector<16xf32>,
      %add3A_792 = arith.addf %add3A_787, %get3A_791 : vector<16xf32>
      %add3A_793 = arith.constant 8192 : i32
      %add3A_794 = arith.addi %add3A_793, %mul3A_711 : i32
      %get3A_795 = arith.index_cast %add3A_794 : i32 to index
      %get3A_796 = tpu.vector_load %arg7[%get3A_795] {strides = array<i32>} : memref<13312xf32, #tpu.memory_space<vmem>>, vector<16xf32>,
      %add3A_797 = arith.addf %add3A_792, %get3A_796 : vector<16xf32>
      %add3A_798 = arith.constant 8704 : i32
      %add3A_799 = arith.addi %add3A_798, %mul3A_711 : i32
      %get3A_800 = arith.index_cast %add3A_799 : i32 to index
      %get3A_801 = tpu.vector_load %arg7[%get3A_800] {strides = array<i32>} : memref<13312xf32, #tpu.memory_space<vmem>>, vector<16xf32>,
      %add3A_802 = arith.addf %add3A_797, %get3A_801 : vector<16xf32>
      %add3A_803 = arith.constant 9216 : i32
      %add3A_804 = arith.addi %add3A_803, %mul3A_711 : i32
      %get3A_805 = arith.index_cast %add3A_804 : i32 to index
      %get3A_806 = tpu.vector_load %arg7[%get3A_805] {strides = array<i32>} : memref<13312xf32, #tpu.memory_space<vmem>>, vector<16xf32>,
      %add3A_807 = arith.addf %add3A_802, %get3A_806 : vector<16xf32>
      %add3A_808 = arith.constant 9728 : i32
      %add3A_809 = arith.addi %add3A_808, %mul3A_711 : i32
      %get3A_810 = arith.index_cast %add3A_809 : i32 to index
      %get3A_811 = tpu.vector_load %arg7[%get3A_810] {strides = array<i32>} : memref<13312xf32, #tpu.memory_space<vmem>>, vector<16xf32>,
      %add3A_812 = arith.addf %add3A_807, %get3A_811 : vector<16xf32>
      %add3A_813 = arith.constant 10240 : i32
      %add3A_814 = arith.addi %add3A_813, %mul3A_711 : i32
      %get3A_815 = arith.index_cast %add3A_814 : i32 to index
      %get3A_816 = tpu.vector_load %arg7[%get3A_815] {strides = array<i32>} : memref<13312xf32, #tpu.memory_space<vmem>>, vector<16xf32>,
      %add3A_817 = arith.addf %add3A_812, %get3A_816 : vector<16xf32>
      %add3A_818 = arith.constant 10752 : i32
      %add3A_819 = arith.addi %add3A_818, %mul3A_711 : i32
      %get3A_820 = arith.index_cast %add3A_819 : i32 to index
      %get3A_821 = tpu.vector_load %arg7[%get3A_820] {strides = array<i32>} : memref<13312xf32, #tpu.memory_space<vmem>>, vector<16xf32>,
      %add3A_822 = arith.addf %add3A_817, %get3A_821 : vector<16xf32>
      %add3A_823 = arith.constant 11264 : i32
      %add3A_824 = arith.addi %add3A_823, %mul3A_711 : i32
      %get3A_825 = arith.index_cast %add3A_824 : i32 to index
      %get3A_826 = tpu.vector_load %arg7[%get3A_825] {strides = array<i32>} : memref<13312xf32, #tpu.memory_space<vmem>>, vector<16xf32>,
      %add3A_827 = arith.addf %add3A_822, %get3A_826 : vector<16xf32>
      %add3A_828 = arith.constant 11776 : i32
      %add3A_829 = arith.addi %add3A_828, %mul3A_711 : i32
      %get3A_830 = arith.index_cast %add3A_829 : i32 to index
      %get3A_831 = tpu.vector_load %arg7[%get3A_830] {strides = array<i32>} : memref<13312xf32, #tpu.memory_space<vmem>>, vector<16xf32>,
      %add3A_832 = arith.addf %add3A_827, %get3A_831 : vector<16xf32>
      %add3A_833 = arith.constant 12288 : i32
      %add3A_834 = arith.addi %add3A_833, %mul3A_711 : i32
      %get3A_835 = arith.index_cast %add3A_834 : i32 to index
      %get3A_836 = tpu.vector_load %arg7[%get3A_835] {strides = array<i32>} : memref<13312xf32, #tpu.memory_space<vmem>>, vector<16xf32>,
      %add3A_837 = arith.addf %add3A_832, %get3A_836 : vector<16xf32>
      %add3A_838 = arith.constant 12800 : i32
      %add3A_839 = arith.addi %add3A_838, %mul3A_711 : i32
      %get3A_840 = arith.index_cast %add3A_839 : i32 to index
      %get3A_841 = tpu.vector_load %arg7[%get3A_840] {strides = array<i32>} : memref<13312xf32, #tpu.memory_space<vmem>>, vector<16xf32>,
      %add3A_842 = arith.addf %add3A_837, %get3A_841 : vector<16xf32>
      %neg3A = arith.constant 0.000000e+00 : f32
      %neg3A_843 = vector.broadcast %neg3A : f32 to vector<16xf32>
      %neg3A_844 = arith.subf %neg3A_843, %add3A_842 : vector<16xf32>
      %exp3A = math.exp %neg3A_844 : vector<16xf32>
      %add3A_845 = arith.constant 1.000000e+00 : f32
      %add3A_846 = vector.broadcast %add3A_845 : f32 to vector<16xf32>
      %add3A_847 = arith.addf %add3A_846, %exp3A : vector<16xf32>
      %div3A = arith.constant 1.000000e+00 : f32
      %div3A_848 = vector.broadcast %div3A : f32 to vector<16xf32>
      %div3A_849 = arith.divf %div3A_848, %add3A_847 : vector<16xf32>
      %swap3A = arith.index_cast %mul3A_711 : i32 to index
      %swap3A_850 = tpu.vector_load %arg9[%swap3A] {strides = array<i32>} : memref<512xf32, #tpu.memory_space<vmem>>, vector<16xf32>,
      tpu.vector_store %arg9[%swap3A], %div3A_849 {strides = array<i32>} : memref<512xf32, #tpu.memory_space<vmem>>, vector<16xf32>,
    }
    %scan3A_704 = arith.constant 32 : i32
    "tpu.region"() ({
      %run_scoped3A = tpu.sem_alloc : memref<!tpu.dma_semaphore, #tpu.memory_space<semaphore_mem>>
      %dma_start3A_705 = tpu.memref_slice %arg5[%mul3A_2] : memref<16384xf32, #tpu.memory_space<hbm>> -> memref<512xf32, #tpu.memory_space<hbm>>
      %dma_start3A_706 = tpu.memref_slice %arg5[%mul3A_2] : memref<16384xf32, #tpu.memory_space<hbm>> -> memref<512xf32, #tpu.memory_space<hbm>>
      tpu.enqueue_dma source(%arg9 : memref<512xf32, #tpu.memory_space<vmem>>) target(%dma_start3A_706 : memref<512xf32, #tpu.memory_space<hbm>>) target_semaphore(%run_scoped3A : memref<!tpu.dma_semaphore, #tpu.memory_space<semaphore_mem>>)
      %dma_wait3A_707 = tpu.memref_slice %arg5[%mul3A_2] : memref<16384xf32, #tpu.memory_space<hbm>> -> memref<512xf32, #tpu.memory_space<hbm>>
      %dma_wait3A_708 = tpu.memref_slice %arg5[%mul3A_2] : memref<16384xf32, #tpu.memory_space<hbm>> -> memref<512xf32, #tpu.memory_space<hbm>>
      tpu.wait_dma2 semaphore(%run_scoped3A : memref<!tpu.dma_semaphore, #tpu.memory_space<semaphore_mem>>) src(%arg9 : memref<512xf32, #tpu.memory_space<vmem>>) dst(%dma_wait3A_708 : memref<512xf32, #tpu.memory_space<hbm>>)
      tpu.yield
    }) : () -> ()
    return
  }
}

module attributes {stable_mosaic.version = 14 : i64} {
  func.func @_dense_tc_kernel(%arg0: memref<16384x13xf32, #tpu.memory_space<vmem>>, %arg1: memref<13xf32, #tpu.memory_space<vmem>>, %arg2: memref<16384xf32, #tpu.memory_space<vmem>>) attributes {dimension_semantics = [], scalar_prefetch = 0 : i64, scratch_operands = 0 : i64, tpu.core_type = #tpu.core_type<tc>} {
    %get3A = arith.constant 0 : index
    %get3A_0 = arith.constant 0 : index
    %get3A_1 = vector.load %arg0[%get3A, %get3A_0] : memref<16384x13xf32, #tpu.memory_space<vmem>>, vector<16384x13xf32>
    %get3A_2 = arith.constant 0 : index
    %get3A_3 = vector.load %arg1[%get3A_2] : memref<13xf32, #tpu.memory_space<vmem>>, vector<13xf32>
    %broadcast_in_dim3A = vector.shape_cast %get3A_3 : vector<13xf32> to vector<1x13xf32>
    %mul3A = vector.broadcast %broadcast_in_dim3A : vector<1x13xf32> to vector<16384x13xf32>
    %mul3A_4 = arith.mulf %get3A_1, %mul3A : vector<16384x13xf32>
    %reduce_sum3A = arith.constant dense<0.000000e+00> : vector<16384xf32>
    %reduce_sum3A_5 = vector.multi_reduction <add>, %mul3A_4, %reduce_sum3A [1] : vector<16384x13xf32> to vector<16384xf32>
    %swap3A = arith.constant 0 : index
    %swap3A_6 = vector.load %arg2[%swap3A] : memref<16384xf32, #tpu.memory_space<vmem>>, vector<16384xf32>
    tpu.vector_store %arg2[%swap3A], %reduce_sum3A_5 {strides = array<i32>} : memref<16384xf32, #tpu.memory_space<vmem>>, vector<16384xf32>,
    return
  }
}

</mosaic_0001>

<sc_bundles>
// kernel: kernel.4.cloned.1.call-start
scs
__scs_entry_jumppad:
0x0: {  	(pc) =	sbr.rel $0x88, $3  }
0x1: {  	(tag) =	ssettag $0x0;
	lr =	simm.s32 $0x1  }
0x2: {  	[smem:$0x3F9D] =	sst lr;
	_ =	strace $0xD0000000  }
0x3: {  	_ = 	snop  }
0x4: {  	_ = 	snop  }
0x5: {  	_ = 	snop  }
0x6: {  	_ = 	snop  }
0x7: {  	_ = 	snop  }
__scs_overlays_trampoline_lowered:
0x8: {  	[smem:$0x3FAC] =	sst s0  }
0x9: {  	[smem:$0x3FAD] =	sst s1  }
0xa: {  	[smem:$0x3FAE] =	sst s2  }
0xb: {  	[smem:$0x3FAF] =	sst s3  }
0xc: {  	[smem:$0x3FB0] =	sst s4  }
0xd: {  	[smem:$0x3FB1] =	sst s5  }
0xe: {  	[smem:$0x3FB2] =	sst s6  }
0xf: {  	[smem:$0x3FB3] =	sst s7  }
0x10: {  	[smem:$0x3FB4] =	sst s8  }
0x11: {  	[smem:$0x3FB5] =	sst s9;
	s0 =	simm.s32 @!p0 $0x0  }
0x12: {  	s1 =	sld [smem:$0x3F9B];
	s0 =	simm.s32 @p0 $0x1  }
0x13: {  	[smem:$0x3FB6] =	sst s0;
	s0 =	simm.s32 @!p1 $0x0  }
0x14: {  	s2 =	sld [smem:$0x3F9A];
	s0 =	simm.s32 @p1 $0x1  }
0x15: {  	[smem:$0x3FB7] =	sst s0;
	s0 =	simm.s32 @!p2 $0x0  }
0x16: {  	s3 =	sld [smem:$0x3FDB];
	s0 =	simm.s32 @p2 $0x1  }
0x17: {  	s4 =	simm.s32 $0x1BF5;
	[smem:$0x3FB9] =	sst s0  }
0x18: {  	s0 =	sld [smem:$0x3F9C];
	_ =	swait.ge [sflag:s4], $0x0  }
0x19: {  	s7 =	sld [smem:$0x3F9D]  }
0x1a: {  	s8 =	sadd.s32 $0xFFFFE003, lr  }
0x1b: {  	s9 =	sadd.s32 $0xFFFFFEF7, lr;
	s5 =	simm.s32 $0xFFFFFFFF;
	p2 =	slt.u32 s8, $0xFFFFF086  }
0x1c: {  	p1 =	slt.u32 s9, $0xF7A;
	s5 =	simm.s32 @!p2 $0x0  }
0x1d: {  	s5 =	simm.s32 @p1 $0x1;
	p0 =	seq.s32 s7, s2  }
0x1e: {  	s7 =	smul.u32 @!p0 $0xF7A, s2;
	p2 =	seq.s32 @!p0 s5, $0x0  }
0x1f: {  	s9 =	smul.u32 $0xF7A, s1;
	s8 =	simm.s32 @!p0 $0x1BF5;
	p2 =	por !p2, p0  }
0x20: {  	[sflag:s8] =	ssyncset.s32 @!p0 $0xFFFFF086;
	s6 =	sadd.s32 @!p0 s3, s7;
	s7 =	simm.s32 @!p0 $0x108  }
0x21: {  	s3 =	sadd.s32 s3, s9;
	s6 =	sadd.s32 @!p0 $0x88, s6;
	s7 =	simm.s32 @p2 $0x1082  }
0x22: {  	[simem:s7], [sflag:s8] =	dma.local @!p0 [hbm:s6], $0xF7A  }
0x23: {  	s9 =	sor.u32 $0xD0000000, s2;
	s6 =	simm.s32 $0x108;
	_ =	swait.ge @!p0 [sflag:s8], $0x0  }
0x24: {  	s3 =	sadd.s32 $0x88, s3;
	s6 =	simm.s32 @!p1 $0x1082;
	[sflag:s4] =	ssyncset.s32 $0xFFFFF086  }
0x25: {  	[simem:s6], [sflag:s4] =	dma.local [hbm:s3], $0xF7A  }
0x26: {  	[smem:$0x3F9D] =	sst s1;
	(tag) =	ssettag s2;
	_ =	strace s9  }
0x27: {  	s1 =	sld [smem:$0x3FAD]  }
0x28: {  	s2 =	sld [smem:$0x3FAE]  }
0x29: {  	s4 =	sld [smem:$0x3FB0]  }
0x2a: {  	p0 =	seq.s32 s5, $0x0;
	s5 =	sld [smem:$0x3FB1]  }
0x2b: {  	s6 =	sld [smem:$0x3FB2]  }
0x2c: {  	s7 =	sld [smem:$0x3FB3]  }
0x2d: {  	s3 =	simm.s32 $0x108;
	s8 =	sld [smem:$0x3FB4]  }
0x2e: {  	s3 =	simm.s32 @!p0 $0x1082;
	s9 =	sld [smem:$0x3FB5]  }
0x2f: {  	lr =	sadd.s32 s0, s3;
	s0 =	sld [smem:$0x3FAC]  }
0x30: {  	s3 =	sld [smem:$0x3FAF]  }
0x31: {  	[smem:$0x3FB8] =	sst s10  }
0x32: {  	s10 =	sld [smem:$0x3FB6];
	_ =	sdelay $0x3  }
0x33: {  	p0 =	seq.s32 s10, $0x1;
	s10 =	sld [smem:$0x3FB8];
	_ =	sdelay $0x3  }
0x34: {  	[smem:$0x3FB8] =	sst s10  }
0x35: {  	s10 =	sld [smem:$0x3FB7];
	_ =	sdelay $0x3  }
0x36: {  	p1 =	seq.s32 s10, $0x1;
	s10 =	sld [smem:$0x3FB8];
	_ =	sdelay $0x3  }
0x37: {  	[smem:$0x3FB8] =	sst s10  }
0x38: {  	s10 =	sld [smem:$0x3FB9]  }
0x39: {  	_ = 	snop;
	(pc) =	sbr.ind lr, $3  }
0x3a: {  	_ = 	snop  }
0x3b: {  	_ = 	snop  }
0x3c: {  	p2 =	seq.s32 s10, $0x1;
	s10 =	sld [smem:$0x3FB8]  }
0x3d: {  	_ =	shalt  }
0x3e: {  	_ =	shalt  }
0x3f: {  	_ =	shalt  }
0x40: {  	_ =	shalt  }
0x41: {  	_ =	shalt  }
0x42: {  	_ =	shalt  }
0x43: {  	_ =	shalt  }
0x44: {  	_ =	shalt  }
0x45: {  	_ =	shalt  }
0x46: {  	_ =	shalt  }
0x47: {  	_ =	shalt  }
0x48: {  	_ =	shalt  }
0x49: {  	_ =	shalt  }
0x4a: {  	_ =	shalt  }
0x4b: {  	_ =	shalt  }
0x4c: {  	_ =	shalt  }
0x4d: {  	_ =	shalt  }
0x4e: {  	_ =	shalt  }
0x4f: {  	_ =	shalt  }
0x50: {  	_ =	shalt  }
0x51: {  	_ =	shalt  }
0x52: {  	_ =	shalt  }
0x53: {  	_ =	shalt  }
0x54: {  	_ =	shalt  }
0x55: {  	_ =	shalt  }
0x56: {  	_ =	shalt  }
0x57: {  	_ =	shalt  }
0x58: {  	_ =	shalt  }
0x59: {  	_ =	shalt  }
0x5a: {  	_ =	shalt  }
0x5b: {  	_ =	shalt  }
0x5c: {  	_ =	shalt  }
0x5d: {  	_ =	shalt  }
0x5e: {  	_ =	shalt  }
0x5f: {  	_ =	shalt  }
0x60: {  	_ =	shalt  }
0x61: {  	_ =	shalt  }
0x62: {  	_ =	shalt  }
0x63: {  	_ =	shalt  }
0x64: {  	_ =	shalt  }
0x65: {  	_ =	shalt  }
0x66: {  	_ =	shalt  }
0x67: {  	_ =	shalt  }
0x68: {  	_ =	shalt  }
0x69: {  	_ =	shalt  }
0x6a: {  	_ =	shalt  }
0x6b: {  	_ =	shalt  }
0x6c: {  	_ =	shalt  }
0x6d: {  	_ =	shalt  }
0x6e: {  	_ =	shalt  }
0x6f: {  	_ =	shalt  }
0x70: {  	_ =	shalt  }
0x71: {  	_ =	shalt  }
0x72: {  	_ =	shalt  }
0x73: {  	_ =	shalt  }
0x74: {  	_ =	shalt  }
0x75: {  	_ =	shalt  }
0x76: {  	_ =	shalt  }
0x77: {  	_ =	shalt  }
0x78: {  	_ =	shalt  }
0x79: {  	_ =	shalt  }
0x7a: {  	_ =	shalt  }
0x7b: {  	_ =	shalt  }
0x7c: {  	_ =	shalt  }
0x7d: {  	_ =	shalt  }
0x7e: {  	_ =	shalt  }
0x7f: {  	_ =	shalt  }
0x80: {  	_ =	shalt  }
0x81: {  	_ =	shalt  }
0x82: {  	_ =	shalt  }
0x83: {  	_ =	shalt  }
0x84: {  	_ =	shalt  }
0x85: {  	_ =	shalt  }
0x86: {  	_ =	shalt  }
0x87: {  	_ =	shalt  }
.Lfunc_end0:
.L_simem_size_0:
called_computation_lowered:
.L_overlay_start_0:
0x88: {  	s2 =	sld [smem:$0x3FD9]  }
0x89: {  	s3 =	sld [smem:$0x3FFE];
	_ =	sdelay $0x1  }
0x8a: {  	s1 =	srdreg.scid  }
0x8b: {  	s0 =	sand.u32 $0x1, s1  }
0x8c: {  	s17 =	sshll.u32 s0, $0xA;
	s2 =	sadd.s32 s3, s2  }
0x8d: {  	s2 =	sadd.s32 s2, s17  }
0x8e: {  	[smem:$0x3FC4] =	sst s2  }
0x8f: {  	_ = 	snop  }
0x90: {  	s2 =	sld [smem:$0x3FD0];
	(tm) =	ssettm $0x1  }
0x91: {  	s18 =	sld [smem:$0x3FFB];
	_ =	sdelay $0x3  }
0x92: {  	_ =	strace s18  }
0x93: {  	s3 =	sld [smem:$0x3FFC];
	_ =	sdelay $0x3  }
0x94: {  	_ =	strace s3  }
0x95: {  	s3 =	sld [smem:$0x3FFD];
	_ =	sdelay $0x3  }
0x96: {  	_ =	strace s3  }
0x97: {  	_ =	strace $0x8FFFFFFF  }
0x98: {  	s19 =	sld [smem:$0x3FDB];
	_ =	sdelay $0x1  }
0x99: {  	s4 =	simm.s32 $_scs_section_size  }
0x9a: {  	s5 =	simm.s32 $_size__tile_overlayer_lowered;
	s6 =	simm.s32 $_tile_overlayer_lowered  }
0x9b: {  	s22 =	simm.s32 $0x1BFF;
	s21 =	sshll.u32 s6, $0x1;
	s3 =	sadd.s32 s4, s19  }
0x9c: {  	s7 =	simm.s32 $0x0;
	s20 =	sshll.u32 s5, $0x1;
	s5 =	sadd.s32 s21, s3  }
0x9d: {  	[timem:s7], [sflag:s22] =	dma.local [hbm:s5], s20  }
0x9e: {  	_ =	swait.ge [sflag:s22], s20  }
0x9f: {  	s4 =	ssub.s32 $0x0, s20;
	[sflag:s22] =	ssyncset.done $0x0  }
0xa0: {  	[sflag:s22] =	ssyncadd.s32 s4;
	_ =	sdelay $0x1  }
0xa1: {  	s23 =	simm.s32 $0x1B8B  }
0xa2: {  	_ =	swait.ge [sflag:s23], $0x1  }
0xa3: {  	[sflag:s23] =	ssyncset.done $0x0  }
0xa4: {  	s25 =	simm.s32 $0x1B8E;
	s24 =	sld [smem:$0x3FFE];
	[sflag:s23] =	ssyncadd.s32 $0xFFFFFFFF  }
0xa5: {  	s26 =	simm.s32 $execute0_lowered;
	[smem:$0x3FD2] =	sst s25  }
0xa6: {  	s5 =	sshll.u32 s26, $0x1;
	_ =	strace $0x80000046;
	[dreg:$0x1] =	wrdreg $0xFFFFFFFF  }
0xa7: {  	s28 =	simm.s32 $_size_execute0_lowered;
	s3 =	sadd.s32 s3, s5;
	[dreg:$0x0] =	wrdreg $0x0  }
0xa8: {  	s5 =	sshll.u32 s28, $0x1;
	[dreg:$0x2] =	wrdreg s3  }
0xa9: {  	[dreg:$0x3] =	wrdreg s5  }
0xaa: {  	[dreg:$0x4] =	wrdreg $0xC0  }
0xab: {  	_ =	task [dreg:s7], $0x5FFFF  }
0xac: {  	[dreg:$0x1] =	wrdreg $0xFFFFFFFF  }
0xad: {  	[dreg:$0x0] =	wrdreg $0x60  }
0xae: {  	[dreg:$0x2] =	wrdreg s24  }
0xaf: {  	[dreg:$0x3] =	wrdreg s2  }
0xb0: {  	[dreg:$0x4] =	wrdreg $0x9  }
0xb1: {  	_ =	task.clear_ibuf [dreg:s7], $0x5FFFF;
	_ =	strace $0x90000046  }
0xb2: {  	s29 =	simm.s32 $0x9;
	_ =	strace $0x80000048  }
0xb3: {  	_ =	swait.ge [sflag:s29], $0x1  }
0xb4: {  	[sflag:s29] =	ssyncadd.s32 $0xFFFFFFFF  }
0xb5: {  	_ =	strace $0x90000048  }
0xb6: {  	_ =	sfence  }
0xb7: {  	s30 =	sld [smem:$0x0];
	_ =	sdelay $0x2  }
0xb8: {  	s31 =	sshll.u32 s1, $0xD;
	s1 =	sshrl.u32 s1, $0x2  }
0xb9: {  	s3 =	sand.u32 $0x4000, s31;
	s1 =	sadd.s32 s1, s30  }
0xba: {  	s0 =	sor.u32 s3, s0;
	s1 =	sshll.u32 s1, $0x11  }
0xbb: {  	s0 =	sor.u32 s1, s0  }
0xbc: {  	s0 =	sadd.s32 $0x8F2B, s0  }
0xbd: {  	[sflag:s0] =	ssyncadd.remote.s32 $0x1  }
0xbe: {  	_ =	sfence.sel $0xFFFF  }
0xbf: {  	[dreg:$0x0] =	wrdreg $0xFFFFFFFF;
	(pc) =	sbr.abs _section_cstart, $3  }
0xc0: {  	[dreg:$0x1] =	wrdreg $0xFFFFFFFF  }
0xc1: {  	_ =	task.clear_ibuf [dreg:s7], $0x2FFFF;
	_ =	strace $0x9FFFFFFF  }
0xc2: {  	(tm) =	ssettm $0x7FFFFFFF  }
0xc3: {  	_ =	shalt  }
tec
execute0_lowered:
.L_overlay_start_1:
0x0: {  	(tag) =	ssettag $0x1  }
0x1: {  	s0 =	srdreg.scid;
	s1 =	rddreg [dreg:$0x0]  }
0x2: {  	s2 =	stileid.u32;
	s3 =	rddreg [dreg:$0x1]  }
0x3: {  	s0 =	sand.u32 $0x1, s0;
	s4 =	sshll.u32 s2, $0x7;
	s2 =	simm.s32 $0x0  }
0x4: {  	s5 =	sshll.u32 s0, $0x6;
	[smem:$0x7FF] =	sst s2  }
0x5: {  	s16 =	sadd.s32 $0x400, s1;
	s4 =	sor.u32 s5, s4;
	_ =	strace $0x80000047  }
0x6: {  	s5 =	sadd.s32 s4, s1;
	s30 =	sadd.s32 s3, s4;
	s3 =	simm.s32 $0x200  }
0x7: {  	s0 =	ssub.s32 $0x2, s0;
	s6 =	sadd.s32 $0x319C00, s5;
	s23 =	sadd.s32 $0x31A400, s5  }
0x8: {  	s12 =	sshrl.u32 s0, $0x1;
	s24 =	sadd.s32 $0x31AC00, s5;
	s25 =	sadd.s32 $0x31B400, s5  }
0x9: {  	s0 =	ssub.s32 s0, s12;
	s26 =	sadd.s32 $0x31BC00, s5;
	s7 =	sadd.s32 $0x31C400, s5  }
0xa: {  	s4 =	simm.s32 $0x1;
	s8 =	sadd.s32 $0x31CC00, s5;
	s9 =	sadd.s32 $0x31D400, s5  }
0xb: {  	s10 =	sadd.s32 $0x31DC00, s5;
	s11 =	sadd.s32 $0x31E400, s5;
	[dreg:$0x3] =	wrdreg s6  }
0xc: {  	s13 =	sadd.s32 $0x31EC00, s5;
	s14 =	sadd.s32 $0x31F400, s5;
	[dreg:$0x4] =	wrdreg s23  }
0xd: {  	s15 =	sadd.s32 $0x31FC00, s5;
	s17 =	sadd.s32 $0x320400, s5;
	[dreg:$0x5] =	wrdreg s24  }
0xe: {  	s18 =	sadd.s32 $0x320C00, s5;
	s19 =	sadd.s32 $0x321400, s5;
	[dreg:$0x6] =	wrdreg s25  }
0xf: {  	s20 =	sadd.s32 $0x321C00, s5;
	s21 =	sadd.s32 $0x322400, s5;
	[dreg:$0x7] =	wrdreg s26  }
0x10: {  	s22 =	sadd.s32 $0x322C00, s5;
	s28 =	sadd.s32 $0x325400, s5;
	[dreg:$0x8] =	wrdreg s7  }
0x11: {  	s29 =	sadd.s32 $0x325C00, s5;
	s31 =	sadd.s32 $0x326400, s5;
	[dreg:$0x9] =	wrdreg s8  }
0x12: {  	s1 =	sadd.s32 $0x326C00, s5;
	s0 =	smax.u32 s0, $0x1;
	[dreg:$0xa] =	wrdreg s9  }
0x13: {  	[dreg:$0xb] =	wrdreg s10;
	s23 =	sadd.s32 $0x323400, s5;
	s24 =	sadd.s32 $0x323C00, s5  }
0x14: {  	[dreg:$0xc] =	wrdreg s11;
	s25 =	sadd.s32 $0x324400, s5;
	s26 =	sadd.s32 $0x324C00, s5  }
0x15: {  	s5 =	simm.s32 $0x2;
	s6 =	simm.s32 $0x3;
	s7 =	simm.s32 $0x0  }
.LBB2_1:
0x16: {  	s8 =	rddreg [dreg:$0x3]  }
0x17: {  	[tilespmem:s2], [sflag:$0x1] =	stream.linear.gather [hbm4b:s8+s2], $0x200, $0x38;
	[tilespmem:$0x6C00] =	vst v63  }
0x18: {  	s11 =	rddreg [dreg:$0x4]  }
0x19: {  	[tilespmem:s3], [sflag:$0x1] =	stream.linear.gather [hbm4b:s11+s2], $0x200, $0x38;
	[tilespmem:$0x6C00] =	vst v63  }
0x1a: {  	s12 =	rddreg [dreg:$0x5];
	s9 =	simm.s32 $0x400  }
0x1b: {  	[tilespmem:s9], [sflag:$0x1] =	stream.linear.gather [hbm4b:s12+s2], $0x200, $0x38;
	[tilespmem:$0x6C00] =	vst v63  }
0x1c: {  	s10 =	simm.s32 $0x600;
	s9 =	rddreg [dreg:$0x6]  }
0x1d: {  	[tilespmem:s10], [sflag:$0x1] =	stream.linear.gather [hbm4b:s9+s2], $0x200, $0x38;
	[tilespmem:$0x6C00] =	vst v63  }
0x1e: {  	s11 =	rddreg [dreg:$0x7];
	s12 =	simm.s32 $0x800  }
0x1f: {  	[tilespmem:s12], [sflag:$0x1] =	stream.linear.gather [hbm4b:s11+s2], $0x200, $0x38;
	[tilespmem:$0x6C00] =	vst v63  }
0x20: {  	s9 =	rddreg [dreg:$0x8];
	s10 =	simm.s32 $0xA00  }
0x21: {  	[tilespmem:s10], [sflag:$0x1] =	stream.linear.gather [hbm4b:s9+s2], $0x200, $0x38;
	[tilespmem:$0x6C00] =	vst v63  }
0x22: {  	s11 =	rddreg [dreg:$0x9];
	s12 =	simm.s32 $0xC00  }
0x23: {  	[tilespmem:s12], [sflag:$0x1] =	stream.linear.gather [hbm4b:s11+s2], $0x200, $0x38;
	[tilespmem:$0x6C00] =	vst v63  }
0x24: {  	s9 =	rddreg [dreg:$0xa];
	s10 =	simm.s32 $0xE00  }
0x25: {  	[tilespmem:s10], [sflag:$0x1] =	stream.linear.gather [hbm4b:s9+s2], $0x200, $0x38;
	[tilespmem:$0x6C00] =	vst v63  }
0x26: {  	s11 =	rddreg [dreg:$0xb];
	s12 =	simm.s32 $0x1000  }
0x27: {  	[tilespmem:s12], [sflag:$0x1] =	stream.linear.gather [hbm4b:s11+s2], $0x200, $0x38;
	[tilespmem:$0x6C00] =	vst v63  }
0x28: {  	s9 =	rddreg [dreg:$0xc];
	s10 =	simm.s32 $0x1200  }
0x29: {  	[tilespmem:s10], [sflag:$0x1] =	stream.linear.gather [hbm4b:s9+s2], $0x200, $0x38;
	[tilespmem:$0x6C00] =	vst v63  }
0x2a: {  	s11 =	simm.s32 $0x1400  }
0x2b: {  	[tilespmem:s11], [sflag:$0x1] =	stream.linear.gather [hbm4b:s13+s2], $0x200, $0x38;
	[tilespmem:$0x6C00] =	vst v63  }
0x2c: {  	s12 =	simm.s32 $0x1600  }
0x2d: {  	[tilespmem:s12], [sflag:$0x1] =	stream.linear.gather [hbm4b:s14+s2], $0x200, $0x38;
	[tilespmem:$0x6C00] =	vst v63  }
0x2e: {  	s9 =	simm.s32 $0x1800  }
0x2f: {  	[tilespmem:s9], [sflag:$0x1] =	stream.linear.gather [hbm4b:s15+s2], $0x200, $0x38;
	[tilespmem:$0x6C00] =	vst v63  }
0x30: {  	s10 =	simm.s32 $0x1A00  }
0x31: {  	[tilespmem:s10], [sflag:$0x1] =	stream.linear.gather [hbm4b:s17+s2], $0x200, $0x38;
	[tilespmem:$0x6C00] =	vst v63  }
0x32: {  	s11 =	simm.s32 $0x1C00  }
0x33: {  	[tilespmem:s11], [sflag:$0x1] =	stream.linear.gather [hbm4b:s18+s2], $0x200, $0x38;
	[tilespmem:$0x6C00] =	vst v63  }
0x34: {  	s12 =	simm.s32 $0x1E00  }
0x35: {  	[tilespmem:s12], [sflag:$0x1] =	stream.linear.gather [hbm4b:s19+s2], $0x200, $0x38;
	[tilespmem:$0x6C00] =	vst v63  }
0x36: {  	s9 =	simm.s32 $0x2000  }
0x37: {  	[tilespmem:s9], [sflag:$0x1] =	stream.linear.gather [hbm4b:s20+s2], $0x200, $0x38;
	[tilespmem:$0x6C00] =	vst v63  }
0x38: {  	s10 =	simm.s32 $0x2200  }
0x39: {  	[tilespmem:s10], [sflag:$0x1] =	stream.linear.gather [hbm4b:s21+s2], $0x200, $0x38;
	[tilespmem:$0x6C00] =	vst v63  }
0x3a: {  	s11 =	simm.s32 $0x2400  }
0x3b: {  	[tilespmem:s11], [sflag:$0x1] =	stream.linear.gather [hbm4b:s22+s2], $0x200, $0x38;
	[tilespmem:$0x6C00] =	vst v63  }
0x3c: {  	s12 =	simm.s32 $0x2600  }
0x3d: {  	[tilespmem:s12], [sflag:$0x1] =	stream.linear.gather [hbm4b:s23+s2], $0x200, $0x38;
	[tilespmem:$0x6C00] =	vst v63  }
0x3e: {  	s9 =	simm.s32 $0x2800  }
0x3f: {  	[tilespmem:s9], [sflag:$0x1] =	stream.linear.gather [hbm4b:s24+s2], $0x200, $0x38;
	[tilespmem:$0x6C00] =	vst v63  }
0x40: {  	s10 =	simm.s32 $0x2A00  }
0x41: {  	[tilespmem:s10], [sflag:$0x1] =	stream.linear.gather [hbm4b:s25+s2], $0x200, $0x38;
	[tilespmem:$0x6C00] =	vst v63  }
0x42: {  	s11 =	simm.s32 $0x2C00  }
0x43: {  	[tilespmem:s11], [sflag:$0x1] =	stream.linear.gather [hbm4b:s26+s2], $0x200, $0x38;
	[tilespmem:$0x6C00] =	vst v63  }
0x44: {  	s12 =	simm.s32 $0x2E00  }
0x45: {  	[tilespmem:s12], [sflag:$0x1] =	stream.linear.gather [hbm4b:s28+s2], $0x200, $0x38;
	[tilespmem:$0x6C00] =	vst v63  }
0x46: {  	s9 =	simm.s32 $0x3000  }
0x47: {  	[tilespmem:s9], [sflag:$0x1] =	stream.linear.gather [hbm4b:s29+s2], $0x200, $0x38;
	[tilespmem:$0x6C00] =	vst v63  }
0x48: {  	s10 =	simm.s32 $0x3200  }
0x49: {  	[tilespmem:s10], [sflag:$0x1] =	stream.linear.gather [hbm4b:s31+s2], $0x200, $0x38;
	[tilespmem:$0x6C00] =	vst v63  }
0x4a: {  	s11 =	simm.s32 $0x6800  }
0x4b: {  	[tilespmem:s11], [sflag:$0x1] =	stream.linear.gather [hbm4b:s1+s2], $0x200, $0x38;
	[tilespmem:$0x6C00] =	vst v63  }
0x4c: {  	_ =	swait.ge [sflag:s4], $0x200  }
0x4d: {  	[sflag:s4] =	ssyncset.done $0x0  }
0x4e: {  	[sflag:s4] =	ssyncadd.s32 $0xFFFFFE00  }
0x4f: {  	_ =	swait.ge [sflag:s4], $0x200  }
0x50: {  	[sflag:s4] =	ssyncset.done $0x0  }
0x51: {  	[sflag:s4] =	ssyncadd.s32 $0xFFFFFE00  }
0x52: {  	_ =	swait.ge [sflag:s4], $0x200  }
0x53: {  	[sflag:s4] =	ssyncset.done $0x0  }
0x54: {  	[sflag:s4] =	ssyncadd.s32 $0xFFFFFE00  }
0x55: {  	_ =	swait.ge [sflag:s4], $0x200  }
0x56: {  	[sflag:s4] =	ssyncset.done $0x0  }
0x57: {  	[sflag:s4] =	ssyncadd.s32 $0xFFFFFE00  }
0x58: {  	_ =	swait.ge [sflag:s4], $0x200  }
0x59: {  	[sflag:s4] =	ssyncset.done $0x0  }
0x5a: {  	[sflag:s4] =	ssyncadd.s32 $0xFFFFFE00  }
0x5b: {  	_ =	swait.ge [sflag:s4], $0x200  }
0x5c: {  	[sflag:s4] =	ssyncset.done $0x0  }
0x5d: {  	[sflag:s4] =	ssyncadd.s32 $0xFFFFFE00  }
0x5e: {  	_ =	swait.ge [sflag:s4], $0x200  }
0x5f: {  	[sflag:s4] =	ssyncset.done $0x0  }
0x60: {  	[sflag:s4] =	ssyncadd.s32 $0xFFFFFE00  }
0x61: {  	_ =	swait.ge [sflag:s4], $0x200  }
0x62: {  	[sflag:s4] =	ssyncset.done $0x0  }
0x63: {  	[sflag:s4] =	ssyncadd.s32 $0xFFFFFE00  }
0x64: {  	_ =	swait.ge [sflag:s4], $0x200  }
0x65: {  	[sflag:s4] =	ssyncset.done $0x0  }
0x66: {  	[sflag:s4] =	ssyncadd.s32 $0xFFFFFE00  }
0x67: {  	_ =	swait.ge [sflag:s4], $0x200  }
0x68: {  	[sflag:s4] =	ssyncset.done $0x0  }
0x69: {  	[sflag:s4] =	ssyncadd.s32 $0xFFFFFE00  }
0x6a: {  	_ =	swait.ge [sflag:s4], $0x200  }
0x6b: {  	[sflag:s4] =	ssyncset.done $0x0  }
0x6c: {  	[sflag:s4] =	ssyncadd.s32 $0xFFFFFE00  }
0x6d: {  	_ =	swait.ge [sflag:s4], $0x200  }
0x6e: {  	[sflag:s4] =	ssyncset.done $0x0  }
0x6f: {  	[sflag:s4] =	ssyncadd.s32 $0xFFFFFE00  }
0x70: {  	_ =	swait.ge [sflag:s4], $0x200  }
0x71: {  	[sflag:s4] =	ssyncset.done $0x0  }
0x72: {  	[sflag:s4] =	ssyncadd.s32 $0xFFFFFE00  }
0x73: {  	_ =	swait.ge [sflag:s4], $0x200  }
0x74: {  	[sflag:s4] =	ssyncset.done $0x0  }
0x75: {  	[sflag:s4] =	ssyncadd.s32 $0xFFFFFE00  }
0x76: {  	_ =	swait.ge [sflag:s4], $0x200  }
0x77: {  	[sflag:s4] =	ssyncset.done $0x0  }
0x78: {  	[sflag:s4] =	ssyncadd.s32 $0xFFFFFE00  }
0x79: {  	_ =	swait.ge [sflag:s4], $0x200  }
0x7a: {  	[sflag:s4] =	ssyncset.done $0x0  }
0x7b: {  	[sflag:s4] =	ssyncadd.s32 $0xFFFFFE00  }
0x7c: {  	_ =	swait.ge [sflag:s4], $0x200  }
0x7d: {  	[sflag:s4] =	ssyncset.done $0x0  }
0x7e: {  	[sflag:s4] =	ssyncadd.s32 $0xFFFFFE00  }
0x7f: {  	_ =	swait.ge [sflag:s4], $0x200  }
0x80: {  	[sflag:s4] =	ssyncset.done $0x0  }
0x81: {  	[sflag:s4] =	ssyncadd.s32 $0xFFFFFE00  }
0x82: {  	_ =	swait.ge [sflag:s4], $0x200  }
0x83: {  	[sflag:s4] =	ssyncset.done $0x0  }
0x84: {  	[sflag:s4] =	ssyncadd.s32 $0xFFFFFE00  }
0x85: {  	_ =	swait.ge [sflag:s4], $0x200  }
0x86: {  	[sflag:s4] =	ssyncset.done $0x0  }
0x87: {  	[sflag:s4] =	ssyncadd.s32 $0xFFFFFE00  }
0x88: {  	_ =	swait.ge [sflag:s4], $0x200  }
0x89: {  	[sflag:s4] =	ssyncset.done $0x0  }
0x8a: {  	[sflag:s4] =	ssyncadd.s32 $0xFFFFFE00  }
0x8b: {  	_ =	swait.ge [sflag:s4], $0x200  }
0x8c: {  	[sflag:s4] =	ssyncset.done $0x0  }
0x8d: {  	[sflag:s4] =	ssyncadd.s32 $0xFFFFFE00  }
0x8e: {  	_ =	swait.ge [sflag:s4], $0x200  }
0x8f: {  	[sflag:s4] =	ssyncset.done $0x0  }
0x90: {  	[sflag:s4] =	ssyncadd.s32 $0xFFFFFE00  }
0x91: {  	_ =	swait.ge [sflag:s4], $0x200  }
0x92: {  	[sflag:s4] =	ssyncset.done $0x0  }
0x93: {  	[sflag:s4] =	ssyncadd.s32 $0xFFFFFE00  }
0x94: {  	_ =	swait.ge [sflag:s4], $0x200  }
0x95: {  	[sflag:s4] =	ssyncset.done $0x0  }
0x96: {  	[sflag:s4] =	ssyncadd.s32 $0xFFFFFE00  }
0x97: {  	_ =	swait.ge [sflag:s4], $0x200  }
0x98: {  	[sflag:s4] =	ssyncset.done $0x0  }
0x99: {  	[sflag:s4] =	ssyncadd.s32 $0xFFFFFE00  }
0x9a: {  	_ =	swait.ge [sflag:s4], $0x200  }
0x9b: {  	[sflag:s4] =	ssyncset.done $0x0  }
0x9c: {  	s12 =	simm.s32 $0x3400;
	[sflag:s4] =	ssyncadd.s32 $0xFFFFFE00  }
0x9d: {  	[tilespmem:s12], [sflag:$0x2] =	stream.indirect.gather [hbm4b:s16+s3], $0x1, s2, s3, $0xb8;
	[tilespmem:$0x6C00] =	vst v63  }
0x9e: {  	_ =	swait.ge [sflag:s5], $0x200  }
0x9f: {  	[sflag:s5] =	ssyncset.done $0x0  }
0xa0: {  	s10 =	simm.s32 $0x0;
	[sflag:s5] =	ssyncadd.s32 $0xFFFFFE00  }
0xa1: {  	v0 =	vld [tilespmem:s10+$0x6800]  }
0xa2: {  	v1 =	vld [tilespmem:s10+$0x3400];
	_ =	sdelay $0x1  }
0xa3: {  	v2 =	vld [tilespmem:s10+$0x3600];
	_ =	sdelay $0x1  }
0xa4: {  	v3 =	vld [tilespmem:s10+$0x3800]  }
0xa5: {  	v0 =	vadd.f32 v1, v0  }
0xa6: {  	v1 =	vld [tilespmem:s10+$0x3A00]  }
0xa7: {  	v0 =	vadd.f32 v2, v0  }
0xa8: {  	v2 =	vld [tilespmem:s10+$0x3C00]  }
0xa9: {  	v0 =	vadd.f32 v3, v0  }
0xaa: {  	v3 =	vld [tilespmem:s10+$0x3E00]  }
0xab: {  	v0 =	vadd.f32 v1, v0  }
0xac: {  	v1 =	vld [tilespmem:s10+$0x4000]  }
0xad: {  	v0 =	vadd.f32 v2, v0  }
0xae: {  	v2 =	vld [tilespmem:s10+$0x4200]  }
0xaf: {  	v4 =	vld [tilespmem:s10+$0x4400];
	v0 =	vadd.f32 v3, v0  }
0xb0: {  	v5 =	vld [tilespmem:s10+$0x4800]  }
0xb1: {  	v6 =	vld [tilespmem:s10+$0x4C00];
	v0 =	vadd.f32 v1, v0  }
0xb2: {  	s8 =	simm.s32 $0x10;
	v3 =	vld [tilespmem:s10+$0x4600]  }
0xb3: {  	v7 =	vld [tilespmem:s8+$0x6800];
	v0 =	vadd.f32 v2, v0  }
0xb4: {  	v8 =	vld [tilespmem:s10+$0x5000]  }
0xb5: {  	v1 =	vld [tilespmem:s10+$0x4A00];
	v0 =	vadd.f32 v4, v0  }
0xb6: {  	v4 =	vld [tilespmem:s8+$0x3400]  }
0xb7: {  	v9 =	vld [tilespmem:s10+$0x5200];
	v0 =	vadd.f32 v3, v0  }
0xb8: {  	v3 =	vld [tilespmem:s8+$0x3600]  }
0xb9: {  	v2 =	vld [tilespmem:s10+$0x4E00];
	v0 =	vadd.f32 v5, v0  }
0xba: {  	v5 =	vld [tilespmem:s8+$0x3800]  }
0xbb: {  	v60 =	vld [tilespmem:s8+$0x4200];
	v4 =	vadd.f32 v4, v7;
	v0 =	vadd.f32 v1, v0  }
0xbc: {  	v1 =	vld [tilespmem:s8+$0x3A00]  }
0xbd: {  	v61 =	vld [tilespmem:s10+$0x6200];
	v3 =	vadd.f32 v3, v4;
	v0 =	vadd.f32 v6, v0  }
0xbe: {  	v6 =	vld [tilespmem:s8+$0x3C00]  }
0xbf: {  	v7 =	vld [tilespmem:s10+$0x5400];
	v3 =	vadd.f32 v5, v3;
	v0 =	vadd.f32 v2, v0  }
0xc0: {  	v2 =	vld [tilespmem:s8+$0x3E00]  }
0xc1: {  	v4 =	vld [tilespmem:s10+$0x5600];
	v1 =	vadd.f32 v1, v3;
	v0 =	vadd.f32 v8, v0  }
0xc2: {  	v8 =	vld [tilespmem:s8+$0x4000]  }
0xc3: {  	v5 =	vld [tilespmem:s10+$0x5800];
	v1 =	vadd.f32 v6, v1;
	v0 =	vadd.f32 v9, v0  }
0xc4: {  	v3 =	vld [tilespmem:s10+$0x5A00]  }
0xc5: {  	v6 =	vld [tilespmem:s10+$0x5C00];
	v1 =	vadd.f32 v2, v1;
	v0 =	vadd.f32 v7, v0  }
0xc6: {  	v7 =	vld [tilespmem:s8+$0x4400]  }
0xc7: {  	v2 =	vld [tilespmem:s10+$0x5E00];
	v1 =	vadd.f32 v8, v1;
	v0 =	vadd.f32 v4, v0  }
0xc8: {  	v4 =	vld [tilespmem:s8+$0x4600]  }
0xc9: {  	v8 =	vld [tilespmem:s10+$0x6000];
	v1 =	vadd.f32 v60, v1;
	v0 =	vadd.f32 v5, v0  }
0xca: {  	v5 =	vld [tilespmem:s8+$0x4800]  }
0xcb: {  	v1 =	vadd.f32 v7, v1;
	v7 =	vld [tilespmem:s10+$0x6400];
	v0 =	vadd.f32 v3, v0  }
0xcc: {  	v3 =	vld [tilespmem:s8+$0x4A00]  }
0xcd: {  	v1 =	vadd.f32 v4, v1;
	v4 =	vld [tilespmem:s10+$0x6600];
	v0 =	vadd.f32 v6, v0  }
0xce: {  	v6 =	vld [tilespmem:s8+$0x4C00]  }
0xcf: {  	s9 =	simm.s32 $0x20;
	v1 =	vadd.f32 v5, v1;
	v5 =	vld [tilespmem:s8+$0x4E00];
	v0 =	vadd.f32 v2, v0  }
0xd0: {  	v2 =	vld [tilespmem:s9+$0x6800]  }
0xd1: {  	v1 =	vadd.f32 v3, v1;
	v3 =	vld [tilespmem:s9+$0x3400];
	v0 =	vadd.f32 v8, v0  }
0xd2: {  	v8 =	vld [tilespmem:s8+$0x5000]  }
0xd3: {  	v1 =	vadd.f32 v6, v1;
	v6 =	vld [tilespmem:s9+$0x3600];
	v0 =	vadd.f32 v61, v0  }
0xd4: {  	v62 =	vld [tilespmem:s8+$0x5200]  }
0xd5: {  	v1 =	vadd.f32 v5, v1;
	v5 =	vld [tilespmem:s9+$0x3800];
	v0 =	vadd.f32 v7, v0  }
0xd6: {  	v7 =	vld [tilespmem:s8+$0x5400];
	v2 =	vadd.f32 v3, v2  }
0xd7: {  	v3 =	vld [tilespmem:s9+$0x3A00];
	v1 =	vadd.f32 v8, v1;
	v0 =	vadd.f32 v4, v0  }
0xd8: {  	v4 =	vld [tilespmem:s8+$0x5600];
	v2 =	vadd.f32 v6, v2  }
0xd9: {  	v6 =	vld [tilespmem:s9+$0x3C00];
	v1 =	vadd.f32 v62, v1;
	v0 =	vsub.f32 $0.0e+00, v0  }
0xda: {  	v8 =	vld [tilespmem:s8+$0x5800];
	v2 =	vadd.f32 v5, v2  }
0xdb: {  	v5 =	vld [tilespmem:s9+$0x3E00];
	v1 =	vadd.f32 v7, v1;
	v0 =	vmul.f32 $1.442695020e+00, v0  }
0xdc: {  	v7 =	vld [tilespmem:s8+$0x5A00];
	v2 =	vadd.f32 v3, v2  }
0xdd: {  	v3 =	vld [tilespmem:s9+$0x4000];
	v1 =	vadd.f32 v4, v1;
	(erf) = vpow2.f32 v0  }
0xde: {  	v0 =	vld [tilespmem:s8+$0x5C00];
	v2 =	vadd.f32 v6, v2  }
0xdf: {  	v1 =	vadd.f32 v8, v1  }
0xe0: {  	v6 =	vld [tilespmem:s8+$0x5E00];
	v2 =	vadd.f32 v5, v2  }
0xe1: {  	v4 =	vld [tilespmem:s9+$0x4200];
	v1 =	vadd.f32 v7, v1  }
0xe2: {  	v7 =	vld [tilespmem:s8+$0x6000];
	v2 =	vadd.f32 v3, v2  }
0xe3: {  	v0 =	vadd.f32 v0, v1;
	_ =	sdelay $0x1  }
0xe4: {  	v0 =	vadd.f32 v6, v0  }
0xe5: {  	v5 =	vld [tilespmem:s9+$0x4400];
	v1 =	vadd.f32 v4, v2;
	v2 =	vpop (erf)  }
0xe6: {  	v0 =	vadd.f32 v7, v0;
	v7 =	vadd.f32 $1.000000000e+00, v2  }
0xe7: {  	v3 =	vld [tilespmem:s9+$0x4600]  }
0xe8: {  	v8 =	vld [tilespmem:s8+$0x6200];
	(erf) = vrcp.f32 v7  }
0xe9: {  	v4 =	vld [tilespmem:s9+$0x4800]  }
0xea: {  	v6 =	vld [tilespmem:s8+$0x6400];
	v63 =	vadd.f32 v5, v1  }
0xeb: {  	v1 =	vld [tilespmem:s9+$0x4A00]  }
0xec: {  	v5 =	vld [tilespmem:s8+$0x6600];
	v3 =	vadd.f32 v3, v63  }
0xed: {  	v2 =	vld [tilespmem:s9+$0x4C00];
	v8 =	vadd.f32 v8, v0  }
0xee: {  	s11 =	simm.s32 $0x30;
	v0 =	vld [tilespmem:s9+$0x4E00];
	v3 =	vadd.f32 v4, v3  }
0xef: {  	s12 =	simm.s32 $0x100;
	v4 =	vld [tilespmem:s11+$0x6800];
	v6 =	vadd.f32 v6, v8  }
.LBB2_2:
0xf0: {  	p0 =	sne.s32 s12, $0x7C0;
	v7 =	vld [tilespmem:s11+$0x3400];
	v1 =	vadd.f32 v1, v3  }
0xf1: {  	v3 =	vld [tilespmem:s9+$0x5000];
	v5 =	vadd.f32 v5, v6;
	v6 =	vpop (erf)  }
0xf2: {  	v8 =	vld [tilespmem:s11+$0x3600];
	v1 =	vadd.f32 v2, v1;
	[tilespmem:s10+$0x6A00] =	vst v6;
	s10 =	smov.u32 s8;
	s8 =	smov.u32 s9;
	s9 =	smov.u32 s11  }
0xf3: {  	v2 =	vld [tilespmem:s8+$0x5200];
	v5 =	vsub.f32 $0.0e+00, v5  }
0xf4: {  	v6 =	vld [tilespmem:s9+$0x3800];
	v0 =	vadd.f32 v0, v1  }
0xf5: {  	v1 =	vadd.f32 v7, v4;
	v4 =	vld [tilespmem:s8+$0x5400];
	v5 =	vmul.f32 $1.442695020e+00, v5  }
0xf6: {  	v7 =	vld [tilespmem:s9+$0x3A00];
	v0 =	vadd.f32 v3, v0  }
0xf7: {  	v1 =	vadd.f32 v8, v1;
	v3 =	vld [tilespmem:s8+$0x5600];
	(erf) = vpow2.f32 v5  }
0xf8: {  	v5 =	vld [tilespmem:s9+$0x3C00];
	v0 =	vadd.f32 v2, v0  }
0xf9: {  	v1 =	vadd.f32 v6, v1;
	v2 =	vld [tilespmem:s8+$0x5800]  }
0xfa: {  	v6 =	vld [tilespmem:s9+$0x3E00];
	v0 =	vadd.f32 v4, v0  }
0xfb: {  	v1 =	vadd.f32 v7, v1;
	v4 =	vld [tilespmem:s8+$0x5A00]  }
0xfc: {  	v7 =	vld [tilespmem:s9+$0x4000];
	v0 =	vadd.f32 v3, v0  }
0xfd: {  	v1 =	vadd.f32 v5, v1;
	v3 =	vld [tilespmem:s8+$0x5C00]  }
0xfe: {  	v5 =	vld [tilespmem:s9+$0x4200];
	v0 =	vadd.f32 v2, v0  }
0xff: {  	v1 =	vadd.f32 v6, v1;
	v2 =	vld [tilespmem:s8+$0x5E00]  }
0x100: {  	v6 =	vld [tilespmem:s9+$0x4400];
	v0 =	vadd.f32 v4, v0;
	v4 =	vpop (erf)  }
0x101: {  	v1 =	vadd.f32 v7, v1;
	v7 =	vld [tilespmem:s8+$0x6000];
	v4 =	vadd.f32 $1.000000000e+00, v4  }
0x102: {  	v8 =	vld [tilespmem:s9+$0x4600];
	v0 =	vadd.f32 v3, v0  }
0x103: {  	v1 =	vadd.f32 v5, v1;
	v3 =	vld [tilespmem:s8+$0x6200];
	(erf) = vrcp.f32 v4  }
0x104: {  	v4 =	vld [tilespmem:s9+$0x4800];
	v0 =	vadd.f32 v2, v0  }
0x105: {  	v2 =	vadd.f32 v6, v1;
	v6 =	vld [tilespmem:s8+$0x6400]  }
.Ltmp0:
0x106: {  	v1 =	vld [tilespmem:s9+$0x4A00];
	v0 =	vadd.f32 v7, v0;
	(pc) =	sbr.rel @p0 .LBB2_2-.Ltmp0, $4  }
0x107: {  	v7 =	vadd.f32 v8, v2;
	v5 =	vld [tilespmem:s8+$0x6600]  }
0x108: {  	v2 =	vld [tilespmem:s9+$0x4C00];
	v8 =	vadd.f32 v3, v0  }
0x109: {  	s11 =	sshra.s32 s12, $0x2;
	v3 =	vadd.f32 v4, v7;
	v0 =	vld [tilespmem:s9+$0x4E00]  }
0x10a: {  	s12 =	sadd.s32 $0x40, s12;
	v4 =	vld [tilespmem:s11+$0x6800];
	v6 =	vadd.f32 v6, v8  }
0x10b: {  	v7 =	vld [tilespmem:s11+$0x3400]  }
0x10c: {  	v5 =	vadd.f32 v5, v6  }
0x10d: {  	v9 =	vld [tilespmem:s11+$0x3600];
	v26 =	vpop (erf)  }
0x10e: {  	v8 =	vld [tilespmem:s9+$0x5000];
	[tilespmem:s10+$0x6A00] =	vst v26;
	v5 =	vsub.f32 $0.0e+00, v5  }
0x10f: {  	v6 =	vld [tilespmem:s11+$0x3800]  }
0x110: {  	v4 =	vadd.f32 v7, v4;
	v5 =	vmul.f32 $1.442695020e+00, v5  }
0x111: {  	v27 =	vld [tilespmem:s11+$0x3A00]  }
0x112: {  	v4 =	vadd.f32 v9, v4;
	(erf) = vpow2.f32 v5  }
0x113: {  	v28 =	vld [tilespmem:s11+$0x3C00]  }
0x114: {  	v10 =	vld [tilespmem:s9+$0x5200];
	v4 =	vadd.f32 v6, v4  }
0x115: {  	v30 =	vld [tilespmem:s11+$0x3E00]  }
0x116: {  	v29 =	vld [tilespmem:s9+$0x5400];
	v4 =	vadd.f32 v27, v4  }
0x117: {  	v31 =	vld [tilespmem:s11+$0x4000]  }
0x118: {  	v11 =	vld [tilespmem:s9+$0x5600];
	v4 =	vadd.f32 v28, v4  }
0x119: {  	v1 =	vadd.f32 v1, v3;
	v32 =	vld [tilespmem:s11+$0x4200]  }
0x11a: {  	v12 =	vld [tilespmem:s9+$0x5800];
	v4 =	vadd.f32 v30, v4  }
0x11b: {  	v1 =	vadd.f32 v2, v1;
	v34 =	vld [tilespmem:s11+$0x4400];
	v35 =	vpop (erf)  }
0x11c: {  	v33 =	vld [tilespmem:s9+$0x5A00];
	v4 =	vadd.f32 v31, v4;
	v6 =	vadd.f32 $1.000000000e+00, v35  }
0x11d: {  	v37 =	vld [tilespmem:s11+$0x4600];
	v0 =	vadd.f32 v0, v1  }
0x11e: {  	v36 =	vld [tilespmem:s9+$0x5C00];
	v3 =	vadd.f32 v32, v4;
	(erf) = vrcp.f32 v6  }
0x11f: {  	v39 =	vld [tilespmem:s11+$0x4800];
	v0 =	vadd.f32 v8, v0  }
0x120: {  	v38 =	vld [tilespmem:s9+$0x5E00];
	v2 =	vadd.f32 v34, v3  }
0x121: {  	v41 =	vld [tilespmem:s11+$0x4A00];
	v0 =	vadd.f32 v10, v0  }
0x122: {  	v40 =	vld [tilespmem:s9+$0x6000];
	v1 =	vadd.f32 v37, v2  }
0x123: {  	v43 =	vld [tilespmem:s11+$0x4C00];
	v0 =	vadd.f32 v29, v0  }
0x124: {  	v42 =	vld [tilespmem:s9+$0x6200];
	v1 =	vadd.f32 v39, v1  }
0x125: {  	v45 =	vld [tilespmem:s11+$0x4E00];
	v0 =	vadd.f32 v11, v0  }
0x126: {  	v44 =	vld [tilespmem:s9+$0x6400];
	v1 =	vadd.f32 v41, v1  }
0x127: {  	v47 =	vld [tilespmem:s11+$0x5000];
	v0 =	vadd.f32 v12, v0;
	v48 =	vpop (erf)  }
0x128: {  	v46 =	vld [tilespmem:s9+$0x6600];
	v1 =	vadd.f32 v43, v1;
	[tilespmem:s8+$0x6A00] =	vst v48  }
0x129: {  	v0 =	vadd.f32 v33, v0;
	v49 =	vld [tilespmem:s11+$0x5200]  }
0x12a: {  	v1 =	vadd.f32 v45, v1  }
0x12b: {  	v0 =	vadd.f32 v36, v0;
	v50 =	vld [tilespmem:s11+$0x5400]  }
0x12c: {  	v1 =	vadd.f32 v47, v1  }
0x12d: {  	v0 =	vadd.f32 v38, v0;
	v51 =	vld [tilespmem:s11+$0x5600]  }
0x12e: {  	v1 =	vadd.f32 v49, v1  }
0x12f: {  	v0 =	vadd.f32 v40, v0;
	v52 =	vld [tilespmem:s11+$0x5800]  }
0x130: {  	v1 =	vadd.f32 v50, v1  }
0x131: {  	v0 =	vadd.f32 v42, v0;
	v53 =	vld [tilespmem:s11+$0x5A00]  }
0x132: {  	v1 =	vadd.f32 v51, v1  }
0x133: {  	v0 =	vadd.f32 v44, v0;
	v54 =	vld [tilespmem:s11+$0x5C00]  }
0x134: {  	v1 =	vadd.f32 v52, v1  }
0x135: {  	v0 =	vadd.f32 v46, v0;
	v55 =	vld [tilespmem:s11+$0x5E00]  }
0x136: {  	v1 =	vadd.f32 v53, v1  }
0x137: {  	v0 =	vsub.f32 $0.0e+00, v0;
	v56 =	vld [tilespmem:s11+$0x6000]  }
0x138: {  	v1 =	vadd.f32 v54, v1  }
0x139: {  	v57 =	vld [tilespmem:s11+$0x6200];
	v0 =	vmul.f32 $1.442695020e+00, v0  }
0x13a: {  	v1 =	vadd.f32 v55, v1  }
0x13b: {  	v58 =	vld [tilespmem:s11+$0x6400];
	(erf) = vpow2.f32 v0  }
0x13c: {  	v1 =	vadd.f32 v56, v1  }
0x13d: {  	v59 =	vld [tilespmem:s11+$0x6600]  }
0x13e: {  	v1 =	vadd.f32 v57, v1;
	_ =	sdelay $0x1  }
0x13f: {  	v0 =	vadd.f32 v58, v1;
	_ =	sdelay $0x1  }
0x140: {  	v0 =	vadd.f32 v59, v0;
	_ =	sdelay $0x1  }
0x141: {  	v60 =	vpop (erf);
	v0 =	vsub.f32 $0.0e+00, v0  }
0x142: {  	v1 =	vadd.f32 $1.000000000e+00, v60  }
0x143: {  	v0 =	vmul.f32 $1.442695020e+00, v0  }
0x144: {  	(erf) = vrcp.f32 v1  }
0x145: {  	(erf) = vpow2.f32 v0;
	_ =	sdelay $0x7  }
0x146: {  	v61 =	vpop (erf)  }
0x147: {  	v62 =	vpop (erf)  }
0x148: {  	v1 =	vadd.f32 $1.000000000e+00, v62;
	_ =	sdelay $0x1  }
0x149: {  	(erf) = vrcp.f32 v1;
	_ =	sdelay $0x7  }
0x14a: {  	s7 =	sadd.s32 $0x1, s7  }
0x14b: {  	p0 =	sne.s32 s7, s0;
	[tilespmem:s9+$0x6A00] =	vst v61;
	v63 =	vpop (erf)  }
.Ltmp1:
0x14c: {  	s12 =	simm.s32 $0x6A00;
	[tilespmem:s11+$0x6A00] =	vst v63;
	(pc) =	sbr.rel @p0 .LBB2_1-.Ltmp1, $4  }
0x14d: {  	[hbm4b:s30+s2] =	stream.linear.scatter [tilespmem:s12], [sflag:$0x3], $0x200, $0x38;
	[tilespmem:$0x6C00] =	vst v63  }
0x14e: {  	_ =	swait.ge [sflag:s6], $0x200  }
0x14f: {  	[sflag:s6] =	ssyncset.done $0x0  }
0x150: {  	[sflag:s6] =	ssyncadd.s32 $0xFFFFFE00  }
0x151: {  	_ =	sfence.sel $0x180000  }
0x152: {  	[bflag:$0x0] =	sbarrier.arrive $0xFFFF  }
0x153: {  	_ =	strace $0x90000047  }
0x154: {  	s0 =	stileid.u32;
	[bflag:$0x2] =	sbarrier.arrive $0xFFFF  }
0x155: {  	p0 =	sne.s32 s0, $0x0;
	s0 =	rddreg [dreg:$0x2]  }
0x156: {  	s0 =	sadd.s32 @!p0 $0x100000, s0  }
0x157: {  	[sflag:s0] =	ssyncadd.tile.s32 @!p0 $0x1;
	_ =	shalt  }
.Lfunc_end2:
_tile_overlayer_lowered:
.L_overlay_start_2:
0x158: {  	(tag) =	ssettag $0x2  }
0x159: {  	s0 =	rddreg [dreg:$0x0];
	s2 =	stileid.u32  }
0x15a: {  	s1 =	rddreg [dreg:$0x1];
	p0 =	sne.s32 s2, $0x0  }
0x15b: {  	s3 =	rddreg [dreg:$0x2];
	[bflag:$0x3] =	sbarrier.arrive $0xFFFF;
	s2 =	simm.s32 @!p0 $0x1C03  }
0x15c: {  	[timem:s3], [sflag:s2] =	dma.local @!p0 [hbm:s0], s1  }
0x15d: {  	s0 =	simm.s32 @!p0 $0x3  }
0x15e: {  	_ =	swait.ge @!p0 [sflag:s0], s1  }
0x15f: {  	s1 =	ssub.s32 @!p0 $0x0, s1;
	[sflag:s0] =	ssyncset.done @!p0 $0x0  }
0x160: {  	[sflag:s0] =	ssyncadd.s32 @!p0 s1  }
0x161: {  	[bflag:$0x3] =	sbarrier.arrive $0xFFFF  }
0x162: {  	_ =	shalt  }

</sc_bundles>
